<compile_context>
chip_gen: v7x
topology: tpu7x:2x2x1
jax: 0.10.2.dev20260603
libtpu: 0.0.44.dev20260713+nightly
codegen_flags: <defaults>
</compile_context>

<pallas_src>
import functools

import jax
import jax.numpy as jnp
from jax import lax
from jax.experimental import pallas as pl
from jax.experimental.pallas import tpu as pltpu
from jax.experimental.pallas import tpu_sc as plsc

N_BATCH = 256
C_DIM = 768
K_DIM = 120
IN_BLOCK = 12
PER_BATCH_IN = C_DIM * IN_BLOCK
PER_BATCH_OUT = C_DIM * K_DIM
NUM_WORKERS = 32
BATCHES_PER_W = N_BATCH // NUM_WORKERS
PAD = 16

_M_TABLE = tuple((j // 6 * 3 + j % 3) * 2 + (j // 3) % 2 for j in range(IN_BLOCK))


def _make_unpool():
    mesh = plsc.VectorSubcoreMesh(core_axis_name="c", subcore_axis_name="s")

    @functools.partial(
        pl.kernel,
        mesh=mesh,
        compiler_params=pltpu.CompilerParams(needs_layout_passes=False),
        out_type=jax.ShapeDtypeStruct((N_BATCH * PER_BATCH_OUT,), jnp.float32),
        scratch_types=[
            pltpu.VMEM((PER_BATCH_IN + PAD,), jnp.int32),
            pltpu.VMEM((PER_BATCH_IN,), jnp.int32),
            pltpu.VMEM((PER_BATCH_IN,), jnp.float32),
            pltpu.VMEM((16,), jnp.int32),
            pltpu.VMEM((PER_BATCH_OUT,), jnp.float32),
        ],
    )
    def unpool(key_hbm, tag_hbm, xt_hbm, mtab_hbm, out_hbm, kbuf, tbuf, xbuf, mbuf, obuf):
        wid = lax.axis_index("s") * 2 + lax.axis_index("c")
        lane = lax.iota(jnp.int32, 16)
        zeros16 = jnp.zeros((16,), jnp.float32)
        pltpu.sync_copy(mtab_hbm, mbuf)
        kbuf[pl.ds(PER_BATCH_IN, 16)] = jnp.full((16,), jnp.iinfo(jnp.int32).max, jnp.int32)

        def batch_body(b, carry):
            n = wid * BATCHES_PER_W + b
            in_base = n * PER_BATCH_IN
            pltpu.sync_copy(key_hbm.at[pl.ds(in_base, PER_BATCH_IN)], kbuf.at[pl.ds(0, PER_BATCH_IN)])
            pltpu.sync_copy(tag_hbm.at[pl.ds(in_base, PER_BATCH_IN)], tbuf)
            pltpu.sync_copy(xt_hbm.at[pl.ds(in_base, PER_BATCH_IN)], xbuf)

            def zero_body(i, c):
                obuf[pl.ds(i * 16, 16)] = zeros16
                return c

            lax.fori_loop(0, PER_BATCH_OUT // 16, zero_body, 0)

            key_base = n * PER_BATCH_OUT

            def scat_body(i, c):
                base = i * 16
                kv = kbuf[pl.ds(base, 16)]
                knext = plsc.load_gather(kbuf, [lane + (base + 1)])
                tv = tbuf[pl.ds(base, 16)]
                rel = tv - in_base
                cc = rel // IN_BLOCK
                jrm = rel - cc * IN_BLOCK
                m = plsc.load_gather(mbuf, [jrm])
                xv = plsc.load_gather(xbuf, [m * C_DIM + cc])
                is_last = kv != knext
                plsc.store_scatter(obuf, [kv - key_base], xv, mask=is_last)
                return c

            lax.fori_loop(0, PER_BATCH_IN // 16, scat_body, 0)

            pltpu.sync_copy(obuf, out_hbm.at[pl.ds(n * PER_BATCH_OUT, PER_BATCH_OUT)])
            return carry

        lax.fori_loop(0, BATCHES_PER_W, batch_body, 0)

    return unpool


def kernel(x, indices):
    idx4 = indices.astype(jnp.int32).reshape(N_BATCH, C_DIM, IN_BLOCK, 1)
    idx4 = jnp.where(idx4 < 0, idx4 + K_DIM, idx4)
    n4 = jax.lax.broadcasted_iota(jnp.int32, (N_BATCH, C_DIM, IN_BLOCK, 1), 0)
    c4 = jax.lax.broadcasted_iota(jnp.int32, (N_BATCH, C_DIM, IN_BLOCK, 1), 1)
    cat = jnp.concatenate([n4, c4, idx4], axis=3)
    strides = jnp.array([PER_BATCH_OUT, 1, C_DIM], jnp.int32)
    gidx = jnp.sum(cat * strides, axis=3).reshape(-1)
    tags = jax.lax.iota(jnp.int32, N_BATCH * C_DIM * IN_BLOCK)
    sidx, stag = jax.lax.sort((gidx, tags), num_keys=1, is_stable=False, dimension=0)
    xt = x.transpose(0, 2, 4, 3, 1).reshape(-1)
    mtab = jnp.array(_M_TABLE + (0,) * (16 - IN_BLOCK), jnp.int32)
    out = _make_unpool()(sidx, stag, xt, mtab)
    out = out.reshape(N_BATCH, K_DIM, C_DIM).transpose(0, 2, 1)
    return out.reshape(N_BATCH, C_DIM, 4, 5, 6)

# --- scband reference (transcript-rebuilt; emitter-appended) ---
"""Pipeline reference for scband-max-unpool3d-module-pad0-21122649162105 (READ-ONLY COPY).

The authoritative reference and input builder live on the scoring server;
editing this copy changes nothing except your own understanding.
"""

import jax, jax.numpy as jnp
import numpy as np

OUT_D, OUT_H, OUT_W = 4, 5, 6
OUT_NUMEL = OUT_D * OUT_H * OUT_W


def setup_inputs(seed: int = 0) -> dict:
    key = jax.random.key(seed)
    k1, k2 = jax.random.split(key)
    x = jax.random.normal(k1, (256, 768, 2, 2, 3), dtype=jnp.float32)
    indices = jax.random.randint(k2, (256, 768, 2, 2, 3), 0, OUT_NUMEL, dtype=jnp.int64)
    return {"x": x, "indices": indices}


def reference(x, indices):
    # torch.ops.aten.max_unpool3d(x, indices, output_size=(4,5,6), stride=(2,3,2), padding=(0,0,0))
    # Semantics: per (n, c), scatter x values into a zero-initialized flat output of
    # size prod(output_size) at positions given by indices (flat indices into D*H*W).
    N, C = x.shape[0], x.shape[1]
    flat_x = x.reshape(N, C, -1)
    flat_idx = indices.reshape(N, C, -1)
    out = jnp.zeros((N, C, OUT_NUMEL), dtype=x.dtype)
    n_idx = jnp.arange(N)[:, None, None]
    c_idx = jnp.arange(C)[None, :, None]
    out = out.at[n_idx, c_idx, flat_idx].set(flat_x)
    return out.reshape(N, C, OUT_D, OUT_H, OUT_W)

if __name__ == "__main__":
    import jax
    _d = setup_inputs()
    print(jax.jit(kernel)(*tuple(_d.values())))

</pallas_src>

<mosaic_0001>
#map = affine_map<(d0, d1) -> (0)>
module attributes {stable_mosaic.version = 14 : i64} {
  func.func @unpool(%arg0: i32, %arg1: i32, %arg2: memref<2359296xi32, #tpu.memory_space<hbm>>, %arg3: memref<2359296xi32, #tpu.memory_space<hbm>>, %arg4: memref<2359296xf32, #tpu.memory_space<hbm>>, %arg5: memref<16xi32, #tpu.memory_space<hbm>>, %arg6: memref<23592960xf32, #tpu.memory_space<hbm>>, %arg7: memref<9232xi32, #tpu.memory_space<vmem>>, %arg8: memref<9216xi32, #tpu.memory_space<vmem>>, %arg9: memref<9216xf32, #tpu.memory_space<vmem>>, %arg10: memref<16xi32, #tpu.memory_space<vmem>>, %arg11: memref<92160xf32, #tpu.memory_space<vmem>>) attributes {dimension_semantics = [#tpu.dimension_semantics<core_parallel>, #tpu.dimension_semantics<subcore_parallel>], iteration_bounds = array<i64: 2, 16>, scalar_prefetch = 0 : i64, scratch_operands = 5 : i64, tpu.core_type = #tpu.core_type<sc_vector_subcore>, window_params = [{transform_indices = #map}, {transform_indices = #map}, {transform_indices = #map}, {transform_indices = #map}, {transform_indices = #map}]} {
    %mul3A = arith.constant 2 : i32
    %mul3A_0 = arith.muli %arg1, %mul3A : i32
    %add3A = arith.addi %mul3A_0, %arg0 : i32
    %iota3A = tpu.iota {dimensions = array<i32: 0>} : vector<16xi32>
    %broadcast_in_dim3A = arith.constant 0.000000e+00 : f32
    %broadcast_in_dim3A_1 = vector.broadcast %broadcast_in_dim3A : f32 to vector<16xf32>
    "tpu.region"() ({
      %run_scoped3A = tpu.sem_alloc : memref<!tpu.dma_semaphore, #tpu.memory_space<semaphore_mem>>
      tpu.enqueue_dma source(%arg5 : memref<16xi32, #tpu.memory_space<hbm>>) target(%arg10 : memref<16xi32, #tpu.memory_space<vmem>>) target_semaphore(%run_scoped3A : memref<!tpu.dma_semaphore, #tpu.memory_space<semaphore_mem>>)
      tpu.wait_dma2 semaphore(%run_scoped3A : memref<!tpu.dma_semaphore, #tpu.memory_space<semaphore_mem>>) src(%arg5 : memref<16xi32, #tpu.memory_space<hbm>>) dst(%arg10 : memref<16xi32, #tpu.memory_space<vmem>>)
      tpu.yield
    }) : () -> ()
    %broadcast_in_dim3A_2 = arith.constant 2147483647 : i32
    %broadcast_in_dim3A_3 = vector.broadcast %broadcast_in_dim3A_2 : i32 to vector<16xi32>
    %swap3A = arith.constant 9216 : index
    %swap3A_4 = tpu.vector_load %arg7[%swap3A] {strides = array<i32>} : memref<9232xi32, #tpu.memory_space<vmem>>, vector<16xi32>,
    tpu.vector_store %arg7[%swap3A], %broadcast_in_dim3A_3 {strides = array<i32>} : memref<9232xi32, #tpu.memory_space<vmem>>, vector<16xi32>,
    %scan3A = arith.constant 0 : i32
    %scan3A_5 = arith.constant 0 : i32
    %scan3A_6 = arith.constant 8 : i32
    %scan3A_7 = arith.addi %scan3A_5, %scan3A_6 : i32
    %scan3A_8 = arith.constant 1 : i32
    scf.for %scan3A_10 = %scan3A_5 to %scan3A_7 step %scan3A_8  : i32 {
      %mul3A_11 = arith.constant 8 : i32
      %mul3A_12 = arith.muli %add3A, %mul3A_11 : i32
      %add3A_13 = arith.addi %mul3A_12, %scan3A_10 : i32
      %mul3A_14 = arith.constant 9216 : i32
      %mul3A_15 = arith.muli %add3A_13, %mul3A_14 : i32
      "tpu.region"() ({
        %run_scoped3A = tpu.sem_alloc : memref<!tpu.dma_semaphore, #tpu.memory_space<semaphore_mem>>
        %dma_start3A = arith.constant 0 : i32
        %dma_start3A_32 = tpu.memref_slice %arg7[%dma_start3A] : memref<9232xi32, #tpu.memory_space<vmem>> -> memref<9216xi32, #tpu.memory_space<vmem>>
        %dma_start3A_33 = tpu.memref_slice %arg2[%mul3A_15] : memref<2359296xi32, #tpu.memory_space<hbm>> -> memref<9216xi32, #tpu.memory_space<hbm>>
        %dma_start3A_34 = arith.constant 0 : i32
        %dma_start3A_35 = tpu.memref_slice %arg7[%dma_start3A_34] : memref<9232xi32, #tpu.memory_space<vmem>> -> memref<9216xi32, #tpu.memory_space<vmem>>
        %dma_start3A_36 = tpu.memref_slice %arg2[%mul3A_15] : memref<2359296xi32, #tpu.memory_space<hbm>> -> memref<9216xi32, #tpu.memory_space<hbm>>
        tpu.enqueue_dma source(%dma_start3A_36 : memref<9216xi32, #tpu.memory_space<hbm>>) target(%dma_start3A_35 : memref<9216xi32, #tpu.memory_space<vmem>>) target_semaphore(%run_scoped3A : memref<!tpu.dma_semaphore, #tpu.memory_space<semaphore_mem>>)
        %dma_wait3A = arith.constant 0 : i32
        %dma_wait3A_37 = tpu.memref_slice %arg7[%dma_wait3A] : memref<9232xi32, #tpu.memory_space<vmem>> -> memref<9216xi32, #tpu.memory_space<vmem>>
        %dma_wait3A_38 = tpu.memref_slice %arg2[%mul3A_15] : memref<2359296xi32, #tpu.memory_space<hbm>> -> memref<9216xi32, #tpu.memory_space<hbm>>
        %dma_wait3A_39 = arith.constant 0 : i32
        %dma_wait3A_40 = tpu.memref_slice %arg7[%dma_wait3A_39] : memref<9232xi32, #tpu.memory_space<vmem>> -> memref<9216xi32, #tpu.memory_space<vmem>>
        %dma_wait3A_41 = tpu.memref_slice %arg2[%mul3A_15] : memref<2359296xi32, #tpu.memory_space<hbm>> -> memref<9216xi32, #tpu.memory_space<hbm>>
        tpu.wait_dma2 semaphore(%run_scoped3A : memref<!tpu.dma_semaphore, #tpu.memory_space<semaphore_mem>>) src(%dma_wait3A_41 : memref<9216xi32, #tpu.memory_space<hbm>>) dst(%dma_wait3A_40 : memref<9216xi32, #tpu.memory_space<vmem>>)
        tpu.yield
      }) : () -> ()
      "tpu.region"() ({
        %run_scoped3A = tpu.sem_alloc : memref<!tpu.dma_semaphore, #tpu.memory_space<semaphore_mem>>
        %dma_start3A = tpu.memref_slice %arg3[%mul3A_15] : memref<2359296xi32, #tpu.memory_space<hbm>> -> memref<9216xi32, #tpu.memory_space<hbm>>
        %dma_start3A_32 = tpu.memref_slice %arg3[%mul3A_15] : memref<2359296xi32, #tpu.memory_space<hbm>> -> memref<9216xi32, #tpu.memory_space<hbm>>
        tpu.enqueue_dma source(%dma_start3A_32 : memref<9216xi32, #tpu.memory_space<hbm>>) target(%arg8 : memref<9216xi32, #tpu.memory_space<vmem>>) target_semaphore(%run_scoped3A : memref<!tpu.dma_semaphore, #tpu.memory_space<semaphore_mem>>)
        %dma_wait3A = tpu.memref_slice %arg3[%mul3A_15] : memref<2359296xi32, #tpu.memory_space<hbm>> -> memref<9216xi32, #tpu.memory_space<hbm>>
        %dma_wait3A_33 = tpu.memref_slice %arg3[%mul3A_15] : memref<2359296xi32, #tpu.memory_space<hbm>> -> memref<9216xi32, #tpu.memory_space<hbm>>
        tpu.wait_dma2 semaphore(%run_scoped3A : memref<!tpu.dma_semaphore, #tpu.memory_space<semaphore_mem>>) src(%dma_wait3A_33 : memref<9216xi32, #tpu.memory_space<hbm>>) dst(%arg8 : memref<9216xi32, #tpu.memory_space<vmem>>)
        tpu.yield
      }) : () -> ()
      "tpu.region"() ({
        %run_scoped3A = tpu.sem_alloc : memref<!tpu.dma_semaphore, #tpu.memory_space<semaphore_mem>>
        %dma_start3A = tpu.memref_slice %arg4[%mul3A_15] : memref<2359296xf32, #tpu.memory_space<hbm>> -> memref<9216xf32, #tpu.memory_space<hbm>>
        %dma_start3A_32 = tpu.memref_slice %arg4[%mul3A_15] : memref<2359296xf32, #tpu.memory_space<hbm>> -> memref<9216xf32, #tpu.memory_space<hbm>>
        tpu.enqueue_dma source(%dma_start3A_32 : memref<9216xf32, #tpu.memory_space<hbm>>) target(%arg9 : memref<9216xf32, #tpu.memory_space<vmem>>) target_semaphore(%run_scoped3A : memref<!tpu.dma_semaphore, #tpu.memory_space<semaphore_mem>>)
        %dma_wait3A = tpu.memref_slice %arg4[%mul3A_15] : memref<2359296xf32, #tpu.memory_space<hbm>> -> memref<9216xf32, #tpu.memory_space<hbm>>
        %dma_wait3A_33 = tpu.memref_slice %arg4[%mul3A_15] : memref<2359296xf32, #tpu.memory_space<hbm>> -> memref<9216xf32, #tpu.memory_space<hbm>>
        tpu.wait_dma2 semaphore(%run_scoped3A : memref<!tpu.dma_semaphore, #tpu.memory_space<semaphore_mem>>) src(%dma_wait3A_33 : memref<9216xf32, #tpu.memory_space<hbm>>) dst(%arg9 : memref<9216xf32, #tpu.memory_space<vmem>>)
        tpu.yield
      }) : () -> ()
      %scan3A_16 = arith.constant 0 : i32
      %scan3A_17 = arith.constant 0 : i32
      %scan3A_18 = arith.constant 5760 : i32
      %scan3A_19 = arith.addi %scan3A_17, %scan3A_18 : i32
      %scan3A_20 = arith.constant 1 : i32
      scf.for %scan3A_32 = %scan3A_17 to %scan3A_19 step %scan3A_20  : i32 {
        %mul3A_33 = arith.constant 16 : i32
        %mul3A_34 = arith.muli %scan3A_32, %mul3A_33 : i32
        %swap3A_35 = arith.index_cast %mul3A_34 : i32 to index
        %swap3A_36 = tpu.vector_load %arg11[%swap3A_35] {strides = array<i32>} : memref<92160xf32, #tpu.memory_space<vmem>>, vector<16xf32>,
        tpu.vector_store %arg11[%swap3A_35], %broadcast_in_dim3A_1 {strides = array<i32>} : memref<92160xf32, #tpu.memory_space<vmem>>, vector<16xf32>,
      }
      %scan3A_21 = arith.constant 5760 : i32
      %mul3A_22 = arith.constant 92160 : i32
      %mul3A_23 = arith.muli %add3A_13, %mul3A_22 : i32
      %scan3A_24 = arith.constant 0 : i32
      %scan3A_25 = arith.constant 0 : i32
      %scan3A_26 = arith.constant 576 : i32
      %scan3A_27 = arith.addi %scan3A_25, %scan3A_26 : i32
      %scan3A_28 = arith.constant 1 : i32
      scf.for %scan3A_32 = %scan3A_25 to %scan3A_27 step %scan3A_28  : i32 {
        %mul3A_33 = arith.constant 16 : i32
        %mul3A_34 = arith.muli %scan3A_32, %mul3A_33 : i32
        %get3A = arith.index_cast %mul3A_34 : i32 to index
        %get3A_35 = tpu.vector_load %arg7[%get3A] {strides = array<i32>} : memref<9232xi32, #tpu.memory_space<vmem>>, vector<16xi32>,
        %add3A_36 = arith.constant 1 : i32
        %add3A_37 = arith.addi %mul3A_34, %add3A_36 : i32
        %add3A_38 = vector.broadcast %add3A_37 : i32 to vector<16xi32>
        %add3A_39 = arith.addi %iota3A, %add3A_38 : vector<16xi32>
        %gather3A = tpu.vector_load_idx %arg7[%add3A_39] : memref<9232xi32, #tpu.memory_space<vmem>>[vector<16xi32>], vector<16xi32>,
        %get3A_40 = arith.index_cast %mul3A_34 : i32 to index
        %get3A_41 = tpu.vector_load %arg8[%get3A_40] {strides = array<i32>} : memref<9216xi32, #tpu.memory_space<vmem>>, vector<16xi32>,
        %sub3A = vector.broadcast %mul3A_15 : i32 to vector<16xi32>
        %sub3A_42 = arith.subi %get3A_41, %sub3A : vector<16xi32>
        %jit3A = arith.constant 12 : i32
        %div3A = vector.broadcast %jit3A : i32 to vector<16xi32>
        %div3A_43 = arith.divsi %sub3A_42, %div3A : vector<16xi32>
        %sign3A = arith.constant 0 : i32
        %sign3A_44 = vector.broadcast %sign3A : i32 to vector<16xi32>
        %sign3A_45 = arith.cmpi sgt, %sub3A_42, %sign3A_44 : vector<16xi32>
        %sign3A_46 = arith.extui %sign3A_45 : vector<16xi1> to vector<16xi32>
        %sign3A_47 = arith.constant 0 : i32
        %sign3A_48 = vector.broadcast %sign3A_47 : i32 to vector<16xi32>
        %sign3A_49 = arith.cmpi slt, %sub3A_42, %sign3A_48 : vector<16xi32>
        %sign3A_50 = arith.extui %sign3A_49 : vector<16xi1> to vector<16xi32>
        %sign3A_51 = arith.subi %sign3A_46, %sign3A_50 : vector<16xi32>
        %sign3A_52 = arith.constant 0 : i32
        %sign3A_53 = arith.cmpi sgt, %jit3A, %sign3A_52 : i32
        %sign3A_54 = arith.extui %sign3A_53 : i1 to i32
        %sign3A_55 = arith.constant 0 : i32
        %sign3A_56 = arith.cmpi slt, %jit3A, %sign3A_55 : i32
        %sign3A_57 = arith.extui %sign3A_56 : i1 to i32
        %sign3A_58 = arith.subi %sign3A_54, %sign3A_57 : i32
        %ne3A = vector.broadcast %sign3A_58 : i32 to vector<16xi32>
        %ne3A_59 = arith.cmpi ne, %sign3A_51, %ne3A : vector<16xi32>
        %rem3A = vector.broadcast %jit3A : i32 to vector<16xi32>
        %rem3A_60 = arith.remsi %sub3A_42, %rem3A : vector<16xi32>
        %ne3A_61 = arith.constant 0 : i32
        %ne3A_62 = vector.broadcast %ne3A_61 : i32 to vector<16xi32>
        %ne3A_63 = arith.cmpi ne, %rem3A_60, %ne3A_62 : vector<16xi32>
        %and3A = arith.andi %ne3A_59, %ne3A_63 : vector<16xi1>
        %sub3A_64 = arith.constant 1 : i32
        %sub3A_65 = vector.broadcast %sub3A_64 : i32 to vector<16xi32>
        %sub3A_66 = arith.subi %div3A_43, %sub3A_65 : vector<16xi32>
        %select_n3A = arith.select %and3A, %sub3A_66, %div3A_43 : vector<16xi1>, vector<16xi32>
        %mul3A_67 = arith.constant 12 : i32
        %mul3A_68 = vector.broadcast %mul3A_67 : i32 to vector<16xi32>
        %mul3A_69 = arith.muli %select_n3A, %mul3A_68 : vector<16xi32>
        %sub3A_70 = arith.subi %sub3A_42, %mul3A_69 : vector<16xi32>
        %gather3A_71 = tpu.vector_load_idx %arg10[%sub3A_70] : memref<16xi32, #tpu.memory_space<vmem>>[vector<16xi32>], vector<16xi32>,
        %mul3A_72 = arith.constant 768 : i32
        %mul3A_73 = vector.broadcast %mul3A_72 : i32 to vector<16xi32>
        %mul3A_74 = arith.muli %gather3A_71, %mul3A_73 : vector<16xi32>
        %add3A_75 = arith.addi %mul3A_74, %select_n3A : vector<16xi32>
        %gather3A_76 = tpu.vector_load_idx %arg9[%add3A_75] : memref<9216xf32, #tpu.memory_space<vmem>>[vector<16xi32>], vector<16xf32>,
        %ne3A_77 = arith.cmpi ne, %get3A_35, %gather3A : vector<16xi32>
        %sub3A_78 = vector.broadcast %mul3A_23 : i32 to vector<16xi32>
        %sub3A_79 = arith.subi %get3A_35, %sub3A_78 : vector<16xi32>
        tpu.vector_store_idx %arg11[%sub3A_79], %gather3A_76 masked %ne3A_77 : memref<92160xf32, #tpu.memory_space<vmem>>[vector<16xi32>], vector<16xf32>, vector<16xi1>
      }
      %scan3A_29 = arith.constant 576 : i32
      %mul3A_30 = arith.constant 92160 : i32
      %mul3A_31 = arith.muli %add3A_13, %mul3A_30 : i32
      "tpu.region"() ({
        %run_scoped3A = tpu.sem_alloc : memref<!tpu.dma_semaphore, #tpu.memory_space<semaphore_mem>>
        %dma_start3A = tpu.memref_slice %arg6[%mul3A_31] : memref<23592960xf32, #tpu.memory_space<hbm>> -> memref<92160xf32, #tpu.memory_space<hbm>>
        %dma_start3A_32 = tpu.memref_slice %arg6[%mul3A_31] : memref<23592960xf32, #tpu.memory_space<hbm>> -> memref<92160xf32, #tpu.memory_space<hbm>>
        tpu.enqueue_dma source(%arg11 : memref<92160xf32, #tpu.memory_space<vmem>>) target(%dma_start3A_32 : memref<92160xf32, #tpu.memory_space<hbm>>) target_semaphore(%run_scoped3A : memref<!tpu.dma_semaphore, #tpu.memory_space<semaphore_mem>>)
        %dma_wait3A = tpu.memref_slice %arg6[%mul3A_31] : memref<23592960xf32, #tpu.memory_space<hbm>> -> memref<92160xf32, #tpu.memory_space<hbm>>
        %dma_wait3A_33 = tpu.memref_slice %arg6[%mul3A_31] : memref<23592960xf32, #tpu.memory_space<hbm>> -> memref<92160xf32, #tpu.memory_space<hbm>>
        tpu.wait_dma2 semaphore(%run_scoped3A : memref<!tpu.dma_semaphore, #tpu.memory_space<semaphore_mem>>) src(%arg11 : memref<92160xf32, #tpu.memory_space<vmem>>) dst(%dma_wait3A_33 : memref<92160xf32, #tpu.memory_space<hbm>>)
        tpu.yield
      }) : () -> ()
    }
    %scan3A_9 = arith.constant 8 : i32
    return
  }
}

</mosaic_0001>

<sc_bundles>
// kernel: kernel.3.cloned.1.call-start
scs
__scs_entry_jumppad:
0x0: {  	(pc) =	sbr.rel $0x88, $3  }
0x1: {  	(tag) =	ssettag $0x0;
	lr =	simm.s32 $0x1  }
0x2: {  	[smem:$0x3F9F] =	sst lr;
	_ =	strace $0xD0000000  }
0x3: {  	_ = 	snop  }
0x4: {  	_ = 	snop  }
0x5: {  	_ = 	snop  }
0x6: {  	_ = 	snop  }
0x7: {  	_ = 	snop  }
__scs_overlays_trampoline_lowered:
0x8: {  	[smem:$0x3FAE] =	sst s0  }
0x9: {  	[smem:$0x3FAF] =	sst s1  }
0xa: {  	[smem:$0x3FB0] =	sst s2  }
0xb: {  	[smem:$0x3FB1] =	sst s3  }
0xc: {  	[smem:$0x3FB2] =	sst s4  }
0xd: {  	[smem:$0x3FB3] =	sst s5  }
0xe: {  	[smem:$0x3FB4] =	sst s6  }
0xf: {  	[smem:$0x3FB5] =	sst s7  }
0x10: {  	[smem:$0x3FB6] =	sst s8  }
0x11: {  	[smem:$0x3FB7] =	sst s9;
	s0 =	simm.s32 @!p0 $0x0  }
0x12: {  	s1 =	sld [smem:$0x3F9D];
	s0 =	simm.s32 @p0 $0x1  }
0x13: {  	[smem:$0x3FB8] =	sst s0;
	s0 =	simm.s32 @!p1 $0x0  }
0x14: {  	s2 =	sld [smem:$0x3F9C];
	s0 =	simm.s32 @p1 $0x1  }
0x15: {  	[smem:$0x3FB9] =	sst s0;
	s0 =	simm.s32 @!p2 $0x0  }
0x16: {  	s3 =	sld [smem:$0x3FDB];
	s0 =	simm.s32 @p2 $0x1  }
0x17: {  	s4 =	simm.s32 $0x1BF5;
	[smem:$0x3FBB] =	sst s0  }
0x18: {  	s0 =	sld [smem:$0x3F9E];
	_ =	swait.ge [sflag:s4], $0x0  }
0x19: {  	s7 =	sld [smem:$0x3F9F]  }
0x1a: {  	s8 =	sadd.s32 $0xFFFFE003, lr  }
0x1b: {  	s9 =	sadd.s32 $0xFFFFFEF7, lr;
	s5 =	simm.s32 $0xFFFFFFFF;
	p2 =	slt.u32 s8, $0xFFFFF086  }
0x1c: {  	p1 =	slt.u32 s9, $0xF7A;
	s5 =	simm.s32 @!p2 $0x0  }
0x1d: {  	s5 =	simm.s32 @p1 $0x1;
	p0 =	seq.s32 s7, s2  }
0x1e: {  	s7 =	smul.u32 @!p0 $0xF7A, s2;
	p2 =	seq.s32 @!p0 s5, $0x0  }
0x1f: {  	s9 =	smul.u32 $0xF7A, s1;
	s8 =	simm.s32 @!p0 $0x1BF5;
	p2 =	por !p2, p0  }
0x20: {  	[sflag:s8] =	ssyncset.s32 @!p0 $0xFFFFF086;
	s6 =	sadd.s32 @!p0 s3, s7;
	s7 =	simm.s32 @!p0 $0x108  }
0x21: {  	s3 =	sadd.s32 s3, s9;
	s6 =	sadd.s32 @!p0 $0x88, s6;
	s7 =	simm.s32 @p2 $0x1082  }
0x22: {  	[simem:s7], [sflag:s8] =	dma.local @!p0 [hbm:s6], $0xF7A  }
0x23: {  	s9 =	sor.u32 $0xD0000000, s2;
	s6 =	simm.s32 $0x108;
	_ =	swait.ge @!p0 [sflag:s8], $0x0  }
0x24: {  	s3 =	sadd.s32 $0x88, s3;
	s6 =	simm.s32 @!p1 $0x1082;
	[sflag:s4] =	ssyncset.s32 $0xFFFFF086  }
0x25: {  	[simem:s6], [sflag:s4] =	dma.local [hbm:s3], $0xF7A  }
0x26: {  	[smem:$0x3F9F] =	sst s1;
	(tag) =	ssettag s2;
	_ =	strace s9  }
0x27: {  	s1 =	sld [smem:$0x3FAF]  }
0x28: {  	s2 =	sld [smem:$0x3FB0]  }
0x29: {  	s4 =	sld [smem:$0x3FB2]  }
0x2a: {  	p0 =	seq.s32 s5, $0x0;
	s5 =	sld [smem:$0x3FB3]  }
0x2b: {  	s6 =	sld [smem:$0x3FB4]  }
0x2c: {  	s7 =	sld [smem:$0x3FB5]  }
0x2d: {  	s3 =	simm.s32 $0x108;
	s8 =	sld [smem:$0x3FB6]  }
0x2e: {  	s3 =	simm.s32 @!p0 $0x1082;
	s9 =	sld [smem:$0x3FB7]  }
0x2f: {  	lr =	sadd.s32 s0, s3;
	s0 =	sld [smem:$0x3FAE]  }
0x30: {  	s3 =	sld [smem:$0x3FB1]  }
0x31: {  	[smem:$0x3FBA] =	sst s10  }
0x32: {  	s10 =	sld [smem:$0x3FB8];
	_ =	sdelay $0x3  }
0x33: {  	p0 =	seq.s32 s10, $0x1;
	s10 =	sld [smem:$0x3FBA];
	_ =	sdelay $0x3  }
0x34: {  	[smem:$0x3FBA] =	sst s10  }
0x35: {  	s10 =	sld [smem:$0x3FB9];
	_ =	sdelay $0x3  }
0x36: {  	p1 =	seq.s32 s10, $0x1;
	s10 =	sld [smem:$0x3FBA];
	_ =	sdelay $0x3  }
0x37: {  	[smem:$0x3FBA] =	sst s10  }
0x38: {  	s10 =	sld [smem:$0x3FBB]  }
0x39: {  	_ = 	snop;
	(pc) =	sbr.ind lr, $3  }
0x3a: {  	_ = 	snop  }
0x3b: {  	_ = 	snop  }
0x3c: {  	p2 =	seq.s32 s10, $0x1;
	s10 =	sld [smem:$0x3FBA]  }
0x3d: {  	_ =	shalt  }
0x3e: {  	_ =	shalt  }
0x3f: {  	_ =	shalt  }
0x40: {  	_ =	shalt  }
0x41: {  	_ =	shalt  }
0x42: {  	_ =	shalt  }
0x43: {  	_ =	shalt  }
0x44: {  	_ =	shalt  }
0x45: {  	_ =	shalt  }
0x46: {  	_ =	shalt  }
0x47: {  	_ =	shalt  }
0x48: {  	_ =	shalt  }
0x49: {  	_ =	shalt  }
0x4a: {  	_ =	shalt  }
0x4b: {  	_ =	shalt  }
0x4c: {  	_ =	shalt  }
0x4d: {  	_ =	shalt  }
0x4e: {  	_ =	shalt  }
0x4f: {  	_ =	shalt  }
0x50: {  	_ =	shalt  }
0x51: {  	_ =	shalt  }
0x52: {  	_ =	shalt  }
0x53: {  	_ =	shalt  }
0x54: {  	_ =	shalt  }
0x55: {  	_ =	shalt  }
0x56: {  	_ =	shalt  }
0x57: {  	_ =	shalt  }
0x58: {  	_ =	shalt  }
0x59: {  	_ =	shalt  }
0x5a: {  	_ =	shalt  }
0x5b: {  	_ =	shalt  }
0x5c: {  	_ =	shalt  }
0x5d: {  	_ =	shalt  }
0x5e: {  	_ =	shalt  }
0x5f: {  	_ =	shalt  }
0x60: {  	_ =	shalt  }
0x61: {  	_ =	shalt  }
0x62: {  	_ =	shalt  }
0x63: {  	_ =	shalt  }
0x64: {  	_ =	shalt  }
0x65: {  	_ =	shalt  }
0x66: {  	_ =	shalt  }
0x67: {  	_ =	shalt  }
0x68: {  	_ =	shalt  }
0x69: {  	_ =	shalt  }
0x6a: {  	_ =	shalt  }
0x6b: {  	_ =	shalt  }
0x6c: {  	_ =	shalt  }
0x6d: {  	_ =	shalt  }
0x6e: {  	_ =	shalt  }
0x6f: {  	_ =	shalt  }
0x70: {  	_ =	shalt  }
0x71: {  	_ =	shalt  }
0x72: {  	_ =	shalt  }
0x73: {  	_ =	shalt  }
0x74: {  	_ =	shalt  }
0x75: {  	_ =	shalt  }
0x76: {  	_ =	shalt  }
0x77: {  	_ =	shalt  }
0x78: {  	_ =	shalt  }
0x79: {  	_ =	shalt  }
0x7a: {  	_ =	shalt  }
0x7b: {  	_ =	shalt  }
0x7c: {  	_ =	shalt  }
0x7d: {  	_ =	shalt  }
0x7e: {  	_ =	shalt  }
0x7f: {  	_ =	shalt  }
0x80: {  	_ =	shalt  }
0x81: {  	_ =	shalt  }
0x82: {  	_ =	shalt  }
0x83: {  	_ =	shalt  }
0x84: {  	_ =	shalt  }
0x85: {  	_ =	shalt  }
0x86: {  	_ =	shalt  }
0x87: {  	_ =	shalt  }
.Lfunc_end0:
.L_simem_size_0:
called_computation.2_lowered:
.L_overlay_start_0:
0x88: {  	s2 =	sld [smem:$0x3FD9]  }
0x89: {  	s3 =	sld [smem:$0x3FFE];
	_ =	sdelay $0x1  }
0x8a: {  	s1 =	srdreg.scid  }
0x8b: {  	s0 =	sand.u32 $0x1, s1  }
0x8c: {  	s17 =	sshll.u32 s0, $0xA;
	s2 =	sadd.s32 s3, s2  }
0x8d: {  	s2 =	sadd.s32 s2, s17  }
0x8e: {  	[smem:$0x3FC6] =	sst s2  }
0x8f: {  	_ = 	snop  }
0x90: {  	s2 =	sld [smem:$0x3FD0];
	(tm) =	ssettm $0x1  }
0x91: {  	s18 =	sld [smem:$0x3FFB];
	_ =	sdelay $0x3  }
0x92: {  	_ =	strace s18  }
0x93: {  	s3 =	sld [smem:$0x3FFC];
	_ =	sdelay $0x3  }
0x94: {  	_ =	strace s3  }
0x95: {  	s3 =	sld [smem:$0x3FFD];
	_ =	sdelay $0x3  }
0x96: {  	_ =	strace s3  }
0x97: {  	_ =	strace $0x8FFFFFFF  }
0x98: {  	s19 =	sld [smem:$0x3FDB];
	_ =	sdelay $0x1  }
0x99: {  	s4 =	simm.s32 $_scs_section_size  }
0x9a: {  	s5 =	simm.s32 $_size__tile_overlayer_lowered;
	s6 =	simm.s32 $_tile_overlayer_lowered  }
0x9b: {  	s22 =	simm.s32 $0x1BFF;
	s21 =	sshll.u32 s6, $0x1;
	s3 =	sadd.s32 s4, s19  }
0x9c: {  	s7 =	simm.s32 $0x0;
	s20 =	sshll.u32 s5, $0x1;
	s5 =	sadd.s32 s21, s3  }
0x9d: {  	[timem:s7], [sflag:s22] =	dma.local [hbm:s5], s20  }
0x9e: {  	_ =	swait.ge [sflag:s22], s20  }
0x9f: {  	s4 =	ssub.s32 $0x0, s20;
	[sflag:s22] =	ssyncset.done $0x0  }
0xa0: {  	[sflag:s22] =	ssyncadd.s32 s4;
	_ =	sdelay $0x1  }
0xa1: {  	s23 =	simm.s32 $0x1B8B  }
0xa2: {  	_ =	swait.ge [sflag:s23], $0x1  }
0xa3: {  	[sflag:s23] =	ssyncset.done $0x0  }
0xa4: {  	s25 =	simm.s32 $0x1B8E;
	s24 =	sld [smem:$0x3FFE];
	[sflag:s23] =	ssyncadd.s32 $0xFFFFFFFF  }
0xa5: {  	s26 =	simm.s32 $execute0_lowered;
	[smem:$0x3FD2] =	sst s25  }
0xa6: {  	s5 =	sshll.u32 s26, $0x1;
	_ =	strace $0x80000046;
	[dreg:$0x1] =	wrdreg $0xFFFFFFFF  }
0xa7: {  	s28 =	simm.s32 $_size_execute0_lowered;
	s3 =	sadd.s32 s3, s5;
	[dreg:$0x0] =	wrdreg $0x0  }
0xa8: {  	s5 =	sshll.u32 s28, $0x1;
	[dreg:$0x2] =	wrdreg s3  }
0xa9: {  	[dreg:$0x3] =	wrdreg s5  }
0xaa: {  	[dreg:$0x4] =	wrdreg $0xC0  }
0xab: {  	_ =	task [dreg:s7], $0x5FFFF  }
0xac: {  	[dreg:$0x1] =	wrdreg $0xFFFFFFFF  }
0xad: {  	[dreg:$0x0] =	wrdreg $0x60  }
0xae: {  	[dreg:$0x2] =	wrdreg s2  }
0xaf: {  	[dreg:$0x3] =	wrdreg s24  }
0xb0: {  	[dreg:$0x4] =	wrdreg $0x9  }
0xb1: {  	_ =	task.clear_ibuf [dreg:s7], $0x5FFFF;
	_ =	strace $0x90000046  }
0xb2: {  	s29 =	simm.s32 $0x9;
	_ =	strace $0x80000048  }
0xb3: {  	_ =	swait.ge [sflag:s29], $0x1  }
0xb4: {  	[sflag:s29] =	ssyncadd.s32 $0xFFFFFFFF  }
0xb5: {  	_ =	strace $0x90000048  }
0xb6: {  	_ =	sfence  }
0xb7: {  	s30 =	sld [smem:$0x0];
	_ =	sdelay $0x2  }
0xb8: {  	s31 =	sshll.u32 s1, $0xD;
	s1 =	sshrl.u32 s1, $0x2  }
0xb9: {  	s3 =	sand.u32 $0x4000, s31;
	s1 =	sadd.s32 s1, s30  }
0xba: {  	s0 =	sor.u32 s3, s0;
	s1 =	sshll.u32 s1, $0x11  }
0xbb: {  	s0 =	sor.u32 s1, s0  }
0xbc: {  	s0 =	sadd.s32 $0x8F2B, s0  }
0xbd: {  	[sflag:s0] =	ssyncadd.remote.s32 $0x1  }
0xbe: {  	_ =	sfence.sel $0xFFFF  }
0xbf: {  	[dreg:$0x0] =	wrdreg $0xFFFFFFFF;
	(pc) =	sbr.abs _section_cstart, $3  }
0xc0: {  	[dreg:$0x1] =	wrdreg $0xFFFFFFFF  }
0xc1: {  	_ =	task.clear_ibuf [dreg:s7], $0x2FFFF;
	_ =	strace $0x9FFFFFFF  }
0xc2: {  	(tm) =	ssettm $0x7FFFFFFF  }
0xc3: {  	_ =	shalt  }
tec
execute0_lowered:
.L_overlay_start_1:
0x0: {  	(tag) =	ssettag $0x1  }
0x1: {  	s7 =	rddreg [dreg:$0x1];
	s1 =	simm.s32 $0x0  }
0x2: {  	s3 =	srdreg.scid;
	s26 =	stileid.u32;
	s2 =	simm.s32 $0x1  }
0x3: {  	v1 =	vimm.s32 $0xECA86420;
	v0 =	vimm.s32 $0x7FFFFFFF;
	v2 =	vlaneseq.u32;
	s4 =	simm.s32 $0x4880;
	[smem:$0x7FF] =	sst s1;
	s8 =	sand.u32 $0x1, s3  }
0x4: {  	vm0 =	vcmask $0xB08;
	vm1 =	vcmask $0x1310;
	vm2 =	vcmask $0x1B18;
	s0 =	sadd.s32 $0x48600, s7;
	s24 =	sadd.s32 $0x600, s7;
	s25 =	sadd.s32 $0x90600, s7  }
0x5: {  	vm3 =	vcmask $0x300;
	vm4 =	vcmask $0x2320;
	vm5 =	vcmask $0x2B28;
	s28 =	sshll.u32 s26, $0x4;
	_ =	strace $0x80000047;
	[dreg:$0x3] =	wrdreg s0  }
0x6: {  	vm6 =	vcmask $0x3330;
	vm7 =	vcmask $0x3B38;
	vm8 =	vmmov $0xff;
	s29 =	sadd.s32 $0x90800, s7;
	[dreg:$0x4] =	wrdreg s24;
	s9 =	ssub.s32 $0x2, s8  }
0x7: {  	vm9 =	vcmask $0x704;
	vm10 =	vcmask $0xF0C;
	vm11 =	vcmask $0x1714;
	[dreg:$0x5] =	wrdreg s25;
	s8 =	sshll.u32 s8, $0x3;
	s10 =	sshrl.u32 s9, $0x1  }
0x8: {  	vm12 =	vcmask $0x1F1C;
	vm13 =	vcmask $0x2724;
	v3 =	vunpack.c.l.s4.s8 v1;
	[dreg:$0x6] =	wrdreg s29;
	s30 =	sor.u32 s8, s28;
	s9 =	ssub.s32 s9, s10  }
0x9: {  	vm14 =	vcmask $0x2F2C;
	vm15 =	vcmask $0x3734;
	v5 =	vimm.s32 $0x0;
	s14 =	simm.s32 $0x6D00;
	[dreg:$0x7] =	wrdreg s30;
	s31 =	smax.u32 s9, $0x1  }
0xa: {  	s5 =	simm.s32 $0x0;
	v1 =	vimm.f32 $0.0e+00;
	v4 =	vmul.u32 $0x2, v2;
	s3 =	simm.s32 $0x6C80;
	v3 =	vunpack.c.0.s8.s32 v3;
	[dreg:$0x8] =	wrdreg s31  }
.LBB2_1:
0xb: {  	[dreg:$0x9] =	wrdreg s5  }
0xc: {  	s0 =	rddreg [dreg:$0x5]  }
0xd: {  	[tilespmem:s3], [sflag:$0x1] =	stream.linear.gather [hbm4b:s0+s1], $0x80, $0x38;
	[tilespmem:$0x1D500] =	vst v63  }
0xe: {  	_ =	swait.ge [sflag:s2], $0x80  }
0xf: {  	[sflag:s2] =	ssyncset.done $0x0  }
0x10: {  	[sflag:s2] =	ssyncadd.s32 $0xFFFFFF80  }
0x11: {  	s5 =	simm.s32 $0x0;
	[tilespmem:$0x2400] =	vst v0  }
.LBB2_2:
0x12: {  	s0 =	rddreg [dreg:$0x7]  }
0x13: {  	s17 =	sadd.s32 s0, s5  }
0x14: {  	s18 =	smul.u32 $0x2400, s17;
	_ =	sdelay $0x1  }
0x15: {  	s26 =	rddreg [dreg:$0x0];
	s19 =	sshrl.u32 s18, $0x3  }
0x16: {  	[dreg:$0xa] =	wrdreg s5;
	s21 =	simm.s32 $0x0;
	s20 =	sadd.s32 s26, s19  }
0x17: {  	[tilespmem:s21], [sflag:$0x1] =	stream.linear.gather [hbm4b:s20+s21], $0x2400, $0x38;
	[tilespmem:$0x1D500] =	vst v63  }
0x18: {  	_ =	swait.ge [sflag:s2], $0x2400  }
0x19: {  	[sflag:s2] =	ssyncset.done $0x0;
	s28 =	rddreg [dreg:$0x3]  }
0x1a: {  	s30 =	simm.s32 $0x2480;
	[sflag:s2] =	ssyncadd.s32 $0xFFFFDC00;
	s29 =	sadd.s32 s28, s19  }
0x1b: {  	[tilespmem:s30], [sflag:$0x1] =	stream.linear.gather [hbm4b:s29+s21], $0x2400, $0x38;
	[tilespmem:$0x1D500] =	vst v63  }
0x1c: {  	_ =	swait.ge [sflag:s2], $0x2400  }
0x1d: {  	[sflag:s2] =	ssyncset.done $0x0;
	s31 =	rddreg [dreg:$0x4]  }
0x1e: {  	[sflag:s2] =	ssyncadd.s32 $0xFFFFDC00;
	s19 =	sadd.s32 s31, s19  }
0x1f: {  	[tilespmem:s4], [sflag:$0x1] =	stream.linear.gather [hbm4b:s19+s21], $0x2400, $0x38;
	[tilespmem:$0x1D500] =	vst v63  }
0x20: {  	_ =	swait.ge [sflag:s2], $0x2400  }
0x21: {  	[sflag:s2] =	ssyncset.done $0x0  }
0x22: {  	s20 =	simm.s32 $0x0;
	s19 =	simm.s32 $0x40;
	[sflag:s2] =	ssyncadd.s32 $0xFFFFDC00  }
.LBB2_3:
0x23: {  	p0 =	sne.s32 s19, $0x59FC0;
	[tilespmem:s20+$0x6D00] =	vst v1;
	s20 =	smov.u32 s19;
	s19 =	sadd.s32 $0x40, s19  }
.Ltmp0:
0x24: {  	(pc) =	sbr.rel @p0 .LBB2_3-.Ltmp0, $2  }
0x25: {  	_ =	sdelay $0x2  }
0x26: {  	s20 =	sshra.s32 s20, $0x2  }
0x27: {  	s0 =	smul.u32 $0x16800, s17  }
0x28: {  	v6 =	vmov s18;
	s18 =	simm.s32 $0x1  }
0x29: {  	[tilespmem:s20+$0x6D00] =	vst v1;
	s19 =	simm.s32 $0x0;
	s20 =	simm.s32 $0x2480;
	[dreg:$0xb] =	wrdreg s0;
	v7 =	vmov s0  }
.LBB2_5:
0x2a: {  	v9 =	vld [tilespmem:s20+$0x0];
	_ =	sdelay $0x4  }
0x2b: {  	v8 =	vsub.s32 v9, v6  }
0x2c: {  	(v2sf) =	vpush v8, $0xD;
	_ =	sdelay $0x1  }
0x2d: {  	(v2sf) =	vpush v8, $0xC;
	_ =	sdelay $0x1  }
0x2e: {  	(v2sf) =	vpush v8, $0xE;
	_ =	sdelay $0x1  }
0x2f: {  	(v2sf) =	vpush v8, $0xF;
	_ =	sdelay $0x1  }
0x30: {  	(v2sf) =	vpush v8, $0x9;
	_ =	sdelay $0x1  }
0x31: {  	(v2sf) =	vpush v8, $0x8;
	_ =	sdelay $0x1  }
0x32: {  	(v2sf) =	vpush v8, $0xA;
	_ =	sdelay $0x1  }
0x33: {  	(v2sf) =	vpush v8, $0xB  }
0x34: {  	s21 =	spop (v2sf)  }
0x35: {  	(v2sf) =	vpush v8, $0x0;
	s22 =	smulhi.u32 $0x2AAAAAAB, s21;
	s21 =	sshra.s32 s21, $0x1F  }
0x36: {  	s23 =	spop (v2sf);
	s21 =	smul.u32 $0x2AAAAAAB, s21  }
0x37: {  	(v2sf) =	vpush v8, $0x1;
	s24 =	smulhi.u32 $0x2AAAAAAB, s23;
	s23 =	sshra.s32 s23, $0x1F  }
0x38: {  	s25 =	spop (v2sf);
	s23 =	smul.u32 $0x2AAAAAAB, s23  }
0x39: {  	(v2sf) =	vpush v8, $0x2;
	s28 =	smulhi.u32 $0x2AAAAAAB, s25;
	s25 =	sshra.s32 s25, $0x1F  }
0x3a: {  	(v2sf) =	vpush v8, $0x3;
	s26 =	spop (v2sf);
	s25 =	smul.u32 $0x2AAAAAAB, s25  }
0x3b: {  	(v2sf) =	vpush v8, $0x4;
	s0 =	smulhi.u32 $0x2AAAAAAB, s26;
	s26 =	sshra.s32 s26, $0x1F  }
0x3c: {  	(v2sf) =	vpush v8, $0x5;
	s29 =	spop (v2sf);
	s26 =	smul.u32 $0x2AAAAAAB, s26  }
0x3d: {  	(v2sf) =	vpush v8, $0x6;
	s5 =	smulhi.u32 $0x2AAAAAAB, s29;
	s29 =	sshra.s32 s29, $0x1F  }
0x3e: {  	(v2sf) =	vpush v8, $0x7;
	s30 =	spop (v2sf);
	s29 =	smul.u32 $0x2AAAAAAB, s29  }
0x3f: {  	s22 =	sadd.s32 s21, s22;
	s1 =	smulhi.u32 $0x2AAAAAAB, s30;
	s30 =	sshra.s32 s30, $0x1F  }
0x40: {  	s24 =	sadd.s32 s23, s24;
	s31 =	spop (v2sf);
	s30 =	smul.u32 $0x2AAAAAAB, s30  }
0x41: {  	s2 =	sshrl.u32 s22, $0x1F;
	s4 =	smulhi.u32 $0x2AAAAAAB, s31;
	s31 =	sshra.s32 s31, $0x1F  }
0x42: {  	s10 =	sshrl.u32 s24, $0x1F;
	s6 =	spop (v2sf);
	s8 =	smul.u32 $0x2AAAAAAB, s31  }
0x43: {  	s23 =	sadd.s32 s25, s28;
	s11 =	smulhi.u32 $0x2AAAAAAB, s6;
	s6 =	sshra.s32 s6, $0x1F  }
0x44: {  	s13 =	sshrl.u32 s23, $0x1F;
	s9 =	spop (v2sf);
	s6 =	smul.u32 $0x2AAAAAAB, s6  }
0x45: {  	s21 =	sadd.s32 s26, s0;
	s16 =	smulhi.u32 $0x2AAAAAAB, s9;
	s9 =	sshra.s32 s9, $0x1F  }
0x46: {  	s29 =	sadd.s32 s29, s5;
	s15 =	spop (v2sf);
	s9 =	smul.u32 $0x2AAAAAAB, s9  }
0x47: {  	s30 =	sadd.s32 s30, s1;
	s28 =	smulhi.u32 $0x2AAAAAAB, s15;
	s15 =	sshra.s32 s15, $0x1F  }
0x48: {  	s12 =	spop (v2sf);
	s26 =	sadd.s32 s8, s4;
	s0 =	smul.u32 $0x2AAAAAAB, s15  }
0x49: {  	s3 =	spop (v2sf);
	s5 =	smulhi.u32 $0x2AAAAAAB, s12;
	s12 =	sshra.s32 s12, $0x1F  }
0x4a: {  	s15 =	sshrl.u32 s21, $0x1F;
	s7 =	spop (v2sf);
	s1 =	smul.u32 $0x2AAAAAAB, s12  }
0x4b: {  	s4 =	smulhi.u32 $0x2AAAAAAB, s3;
	s3 =	sshra.s32 s3, $0x1F;
	s17 =	spop (v2sf)  }
0x4c: {  	s25 =	sadd.s32 s6, s11;
	s3 =	smul.u32 $0x2AAAAAAB, s3;
	s31 =	spop (v2sf)  }
0x4d: {  	s1 =	sadd.s32 s1, s5;
	s5 =	smulhi.u32 $0x2AAAAAAB, s7;
	s12 =	spop (v2sf)  }
0x4e: {  	s8 =	sadd.s32 s9, s16;
	s16 =	smulhi.u32 $0x2AAAAAAB, s12;
	s6 =	sshra.s32 s12, $0x1F  }
0x4f: {  	s11 =	sshrl.u32 s29, $0x1F;
	s7 =	sshra.s32 s7, $0x1F;
	s6 =	smul.u32 $0x2AAAAAAB, s6  }
0x50: {  	v11 =	vmov s10;
	s0 =	sadd.s32 s0, s28;
	s9 =	sshra.s32 s8, $0x1;
	s7 =	smul.u32 $0x2AAAAAAB, s7  }
0x51: {  	v11 =	vsel vm0, s2, v11;
	s3 =	sadd.s32 s3, s4;
	s4 =	sshrl.u32 s0, $0x1F;
	s28 =	sadd.s32 s6, s16  }
0x52: {  	v11 =	vsel vm1, s13, v11;
	s13 =	sshra.s32 s1, $0x1;
	s2 =	smulhi.u32 $0x2AAAAAAB, s17;
	s16 =	sshra.s32 s28, $0x1F  }
0x53: {  	v55 =	vshra.s32 v8, $0x1F;
	v58 =	vsub.s32 $0x0, v8;
	s10 =	sshra.s32 s17, $0x1F;
	s17 =	sshrl.u32 s1, $0x1F;
	s12 =	sshrl.u32 s30, $0x1F;
	v10 =	vmov s16  }
0x54: {  	v11 =	vsel vm2, s15, v11;
	s15 =	sshrl.u32 s3, $0x1F;
	v13 =	vmov s12;
	s16 =	sshrl.u32 s8, $0x1F;
	s8 =	sshra.s32 s8, $0x1F;
	v10 =	vsel vm3, s9, v10  }
0x55: {  	s12 =	sshra.s32 s30, $0x1;
	v13 =	vsel vm0, s11, v13;
	s6 =	sshrl.u32 s26, $0x1F;
	v12 =	vmov s16;
	s16 =	sshra.s32 s0, $0x1;
	v10 =	vsel vm9, s8, v10  }
0x56: {  	s5 =	sadd.s32 s7, s5;
	s7 =	sshrl.u32 s25, $0x1F;
	v14 =	vmov s12;
	v13 =	vsel vm1, s6, v13;
	s0 =	sshra.s32 s0, $0x1F;
	v10 =	vsel vm0, s16, v10  }
0x57: {  	s1 =	sshra.s32 s1, $0x1F;
	s11 =	sshra.s32 s24, $0x1;
	v13 =	vsel vm2, s7, v13;
	s9 =	smul.u32 $0x2AAAAAAB, s10;
	v12 =	vnsel vm3, $0x0, v12;
	v10 =	vsel vm10, s0, v10  }
0x58: {  	s10 =	sshra.s32 s5, $0x1;
	v11 =	vcombine.low v13, v11;
	v12 =	vsel vm0, s4, v12;
	s4 =	smulhi.u32 $0x2AAAAAAB, s31;
	s31 =	sshra.s32 s31, $0x1F;
	v10 =	vsel vm1, s13, v10  }
0x59: {  	v54 =	vmov s11;
	s8 =	sshra.s32 s3, $0x1F;
	v12 =	vsel vm1, s17, v12;
	s16 =	smul.u32 $0x2AAAAAAB, s31;
	s31 =	sshra.s32 s3, $0x1;
	v10 =	vsel vm11, s1, v10  }
0x5a: {  	v11 =	vperm.xlane v11, v3;
	s0 =	sadd.s32 s9, s2;
	s17 =	sshrl.u32 s5, $0x1F;
	v12 =	vsel vm2, s15, v12;
	s15 =	sshra.s32 s22, $0x1;
	v10 =	vsel vm2, s31, v10  }
0x5b: {  	s6 =	sshrl.u32 s0, $0x1F;
	v12 =	vsel vm4, s17, v12;
	s4 =	sadd.s32 s16, s4;
	s16 =	sshra.s32 s29, $0x1;
	v13 =	vsel vm0, s15, v54;
	v10 =	vsel vm12, s8, v10  }
0x5c: {  	s13 =	sshra.s32 s5, $0x1F;
	s22 =	sshra.s32 s23, $0x1;
	v12 =	vsel vm5, s6, v12;
	s9 =	sshrl.u32 s4, $0x1F;
	v14 =	vsel vm0, s16, v14;
	v10 =	vsel vm4, s10, v10  }
0x5d: {  	s24 =	sshra.s32 s21, $0x1;
	s23 =	sshra.s32 s26, $0x1;
	s17 =	sshra.s32 s0, $0x1;
	v13 =	vsel vm1, s22, v13;
	v12 =	vsel vm6, s9, v12;
	v10 =	vsel vm13, s13, v10  }
0x5e: {  	s25 =	sshra.s32 s25, $0x1;
	s0 =	sshra.s32 s0, $0x1F;
	s29 =	sshrl.u32 s28, $0x1F;
	v14 =	vsel vm1, s23, v14;
	v13 =	vsel vm2, s24, v13;
	v10 =	vsel vm5, s17, v10  }
0x5f: {  	s26 =	sshra.s32 s4, $0x1;
	v14 =	vsel vm2, s25, v14;
	v12 =	vsel vm7, s29, v12;
	v10 =	vsel vm14, s0, v10  }
0x60: {  	s30 =	sshra.s32 s4, $0x1F;
	v13 =	vcombine.low v14, v13;
	v12 =	vperm.xlane v12, v4;
	v10 =	vsel vm6, s26, v10  }
0x61: {  	s31 =	sshra.s32 s28, $0x1;
	vm13 =	vmmov vm9;
	vm9 =	vne.s32 v9, v6;
	v10 =	vsel vm15, s30, v10  }
0x62: {  	v56 =	vsel vm9, $0x1, v5;
	v13 =	vperm.xlane v13, v3;
	v10 =	vsel vm7, s31, v10  }
0x63: {  	v11 =	vsel vm8, v12, v11;
	v9 =	vor.u32 v56, v55;
	v10 =	vperm.xlane v10, v4  }
0x64: {  	vm9 =	vne.s32 v9, $0x1;
	vm15 =	vmmov vm11;
	vm11 =	vmmov vm2  }
0x65: {  	vm2 =	vmmov vm1;
	vm1 =	vmmov vm0;
	v10 =	vsel vm8, v10, v13  }
0x66: {  	vm0 =	vmmov vm8;
	vm8 =	vmmov vm7;
	v10 =	vadd.s32 v11, v10  }
0x67: {  	vm7 =	vmmov vm6;
	vm6 =	vmmov vm5;
	v57 =	vmul.u32 $0xFFFFFFF4, v10  }
0x68: {  	vm5 =	vmmov vm4;
	vm4 =	vmmov vm3;
	vm3 =	vmmov vm14  }
0x69: {  	vm14 =	vmmov vm12;
	vm12 =	vmmov vm10;
	vm10 =	vne.s32 v57, v58  }
0x6a: {  	vm9 =	vmand vm10, vm9  }
0x6b: {  	v59 =	vsel vm9, $0xFFFFFFFF, v5  }
0x6c: {  	v9 =	vadd.s32 v59, v10  }
0x6d: {  	v10 =	vmul.u32 $0xFFFFFFF4, v9;
	_ =	sdelay $0x1  }
0x6e: {  	v8 =	vadd.s32 v8, v10;
	_ =	sdelay $0x3  }
0x6f: {  	s3 =	simm.s32 $0x6C80  }
0x70: {  	v8 =	vld.idx.msk [tilespmem:v8+s3+$0x0], $0xffff  }
0x71: {  	v60 =	vadd.s32 s18, v2;
	_ =	sdelay $0x3  }
0x72: {  	v61 =	vld [tilespmem:s19+$0x0];
	s1 =	simm.s32 $0x0;
	v8 =	vmul.u32 $0x300, v8  }
0x73: {  	v10 =	vld.idx.msk [tilespmem:v60+s1+$0x0], $0xffff  }
0x74: {  	v8 =	vadd.s32 v8, v9;
	_ =	sdelay $0x2  }
0x75: {  	v62 =	vsub.s32 v61, v7  }
0x76: {  	v63 =	vand.u32 $0x7F, v61;
	s4 =	simm.s32 $0x4880;
	vm9 =	vne.s32 v61, v10;
	v9 =	vand.u32 $0xFFFFFF80, v62  }
0x77: {  	p0 =	sne.s32 s18, $0x23F1;
	vm10 =	vmmov vm12;
	v9 =	vor.u32 v63, v9;
	v8 =	vld.idx.msk [tilespmem:v8+s4+$0x0], $0xffff  }
.Ltmp1:
0x78: {  	vm12 =	vmmov vm14;
	vm14 =	vmmov vm3;
	vm3 =	vmmov vm4;
	(pc) =	sbr.rel @p0 .LBB2_5-.Ltmp1, $4  }
0x79: {  	vm4 =	vmmov vm5;
	vm5 =	vmmov vm6;
	vm6 =	vmmov vm7  }
0x7a: {  	vm7 =	vmmov vm8;
	vm8 =	vmmov vm0;
	vm0 =	vmmov vm1  }
0x7b: {  	vm1 =	vmmov vm2;
	vm2 =	vmmov vm11;
	vm11 =	vmmov vm15  }
0x7c: {  	s19 =	sadd.s32 $0x10, s19;
	s20 =	sadd.s32 $0x10, s20;
	s18 =	sadd.s32 $0x10, s18;
	vm15 =	vcmask $0x3734;
	[tilespmem:v9+s14+$0x0] =	vst.idx.msk vm9, v8;
	vm9 =	vmmov vm13;
	vm13 =	vcmask $0x2724  }
0x7d: {  	s0 =	rddreg [dreg:$0xb]  }
0x7e: {  	s2 =	rddreg [dreg:$0x6];
	s0 =	sshrl.u32 s0, $0x3  }
0x7f: {  	s0 =	sadd.s32 s2, s0;
	s2 =	simm.s32 $0x1  }
0x80: {  	[hbm4b:s0+s1] =	stream.linear.scatter [tilespmem:s14], [sflag:$0x1], $0x16800, $0x38;
	[tilespmem:$0x1D500] =	vst v63  }
0x81: {  	_ =	swait.ge [sflag:s2], $0x16800  }
0x82: {  	s5 =	rddreg [dreg:$0xa]  }
0x83: {  	s5 =	sadd.s32 $0x1, s5  }
0x84: {  	p0 =	sne.s32 s5, $0x8  }
.Ltmp2:
0x85: {  	_ = 	snop;
	(pc) =	sbr.rel @p0 .LBB2_2-.Ltmp2, $3  }
0x86: {  	_ =	sdelay $0x1  }
0x87: {  	[sflag:s2] =	ssyncset.done $0x0  }
0x88: {  	[sflag:s2] =	ssyncadd.s32 $0xFFFE9800  }
0x89: {  	s5 =	rddreg [dreg:$0x9]  }
0x8a: {  	s0 =	rddreg [dreg:$0x8];
	s5 =	sadd.s32 $0x1, s5  }
0x8b: {  	p0 =	sne.s32 s5, s0  }
.Ltmp3:
0x8c: {  	_ = 	snop;
	(pc) =	sbr.rel @p0 .LBB2_1-.Ltmp3, $1  }
0x8d: {  	_ =	sdelay $0x3  }
0x8e: {  	_ =	sfence.sel $0x180000  }
0x8f: {  	[bflag:$0x0] =	sbarrier.arrive $0xFFFF  }
0x90: {  	_ =	strace $0x90000047  }
0x91: {  	s0 =	stileid.u32;
	[bflag:$0x2] =	sbarrier.arrive $0xFFFF  }
0x92: {  	p0 =	sne.s32 s0, $0x0;
	s0 =	rddreg [dreg:$0x2]  }
0x93: {  	s0 =	sadd.s32 @!p0 $0x100000, s0  }
0x94: {  	[sflag:s0] =	ssyncadd.tile.s32 @!p0 $0x1;
	_ =	shalt  }
.Lfunc_end2:
_tile_overlayer_lowered:
.L_overlay_start_2:
0x95: {  	(tag) =	ssettag $0x2  }
0x96: {  	s0 =	rddreg [dreg:$0x0];
	s2 =	stileid.u32  }
0x97: {  	s1 =	rddreg [dreg:$0x1];
	p0 =	sne.s32 s2, $0x0  }
0x98: {  	s3 =	rddreg [dreg:$0x2];
	[bflag:$0x3] =	sbarrier.arrive $0xFFFF;
	s2 =	simm.s32 @!p0 $0x1C01  }
0x99: {  	[timem:s3], [sflag:s2] =	dma.local @!p0 [hbm:s0], s1  }
0x9a: {  	s0 =	simm.s32 @!p0 $0x1  }
0x9b: {  	_ =	swait.ge @!p0 [sflag:s0], s1  }
0x9c: {  	s1 =	ssub.s32 @!p0 $0x0, s1;
	[sflag:s0] =	ssyncset.done @!p0 $0x0  }
0x9d: {  	[sflag:s0] =	ssyncadd.s32 @!p0 s1  }
0x9e: {  	[bflag:$0x3] =	sbarrier.arrive $0xFFFF  }
0x9f: {  	_ =	shalt  }

// kernel: sparse-core-data-format-call.1.cloned.1.call-start
scs
called_computation.1_lowered:
.L_overlay_start_0:
0x0: {  	s2 =	sld [smem:$0x3FD9]  }
0x1: {  	s3 =	sld [smem:$0x3FFE];
	_ =	sdelay $0x1  }
0x2: {  	s1 =	srdreg.scid  }
0x3: {  	s0 =	sand.u32 $0x1, s1  }
0x4: {  	s18 =	sshll.u32 s0, $0xA;
	s2 =	sadd.s32 s3, s2  }
0x5: {  	s2 =	sadd.s32 s2, s18  }
0x6: {  	[smem:$0x3FC6] =	sst s2  }
0x7: {  	_ = 	snop  }
0x8: {  	s2 =	sld [smem:$0x3FD0];
	(tm) =	ssettm $0x1  }
0x9: {  	s19 =	sld [smem:$0x3FFB];
	_ =	sdelay $0x3  }
0xa: {  	_ =	strace s19  }
0xb: {  	s3 =	sld [smem:$0x3FFC];
	_ =	sdelay $0x3  }
0xc: {  	_ =	strace s3  }
0xd: {  	s3 =	sld [smem:$0x3FFD];
	_ =	sdelay $0x3  }
0xe: {  	_ =	strace s3  }
0xf: {  	_ =	strace $0x8FFFFFFF  }
0x10: {  	s20 =	sld [smem:$0x3FDB];
	_ =	sdelay $0x1  }
0x11: {  	s4 =	simm.s32 $_scs_section_size  }
0x12: {  	s5 =	simm.s32 $_size__tile_overlayer_lowered;
	s6 =	simm.s32 $_tile_overlayer_lowered  }
0x13: {  	s23 =	simm.s32 $0x1BFF;
	s22 =	sshll.u32 s6, $0x1;
	s3 =	sadd.s32 s4, s20  }
0x14: {  	s7 =	simm.s32 $0x0;
	s21 =	sshll.u32 s5, $0x1;
	s5 =	sadd.s32 s22, s3  }
0x15: {  	[timem:s7], [sflag:s23] =	dma.local [hbm:s5], s21  }
0x16: {  	_ =	swait.ge [sflag:s23], s21  }
0x17: {  	s4 =	ssub.s32 $0x0, s21;
	[sflag:s23] =	ssyncset.done $0x0  }
0x18: {  	[sflag:s23] =	ssyncadd.s32 s4;
	_ =	sdelay $0x1  }
0x19: {  	s24 =	simm.s32 $0x1B8B  }
0x1a: {  	_ =	swait.ge [sflag:s24], $0x1  }
0x1b: {  	[sflag:s24] =	ssyncset.done $0x0  }
0x1c: {  	s26 =	simm.s32 $0x1B8E;
	s25 =	sld [smem:$0x3FFE];
	[sflag:s24] =	ssyncadd.s32 $0xFFFFFFFF  }
0x1d: {  	s27 =	simm.s32 $execute0_lowered;
	[smem:$0x3FD2] =	sst s26  }
0x1e: {  	s5 =	sshll.u32 s27, $0x1;
	_ =	strace $0x80000049;
	[dreg:$0x1] =	wrdreg $0xFFFFFFFF  }
0x1f: {  	s28 =	simm.s32 $_size_execute0_lowered;
	s3 =	sadd.s32 s3, s5;
	[dreg:$0x0] =	wrdreg $0x0  }
0x20: {  	s5 =	sshll.u32 s28, $0x1;
	[dreg:$0x2] =	wrdreg s3  }
0x21: {  	[dreg:$0x3] =	wrdreg s5  }
0x22: {  	[dreg:$0x4] =	wrdreg $0xC0  }
0x23: {  	_ =	task [dreg:s7], $0x5FFFF  }
0x24: {  	[dreg:$0x1] =	wrdreg $0xFFFFFFFF  }
0x25: {  	[dreg:$0x0] =	wrdreg $0x60  }
0x26: {  	[dreg:$0x2] =	wrdreg s2  }
0x27: {  	[dreg:$0x3] =	wrdreg s25  }
0x28: {  	[dreg:$0x4] =	wrdreg $0x9  }
0x29: {  	_ =	task.clear_ibuf [dreg:s7], $0x5FFFF;
	_ =	strace $0x90000049  }
0x2a: {  	s29 =	simm.s32 $0x9;
	_ =	strace $0x8000004B  }
0x2b: {  	_ =	swait.ge [sflag:s29], $0x1  }
0x2c: {  	[sflag:s29] =	ssyncadd.s32 $0xFFFFFFFF  }
0x2d: {  	_ =	strace $0x9000004B  }
0x2e: {  	_ =	sfence  }
0x2f: {  	s30 =	sld [smem:$0x0];
	_ =	sdelay $0x2  }
0x30: {  	s31 =	sshll.u32 s1, $0xD;
	s1 =	sshrl.u32 s1, $0x2  }
0x31: {  	s3 =	sand.u32 $0x4000, s31;
	s1 =	sadd.s32 s1, s30  }
0x32: {  	s0 =	sor.u32 s3, s0;
	s1 =	sshll.u32 s1, $0x11  }
0x33: {  	s0 =	sor.u32 s1, s0  }
0x34: {  	s0 =	sadd.s32 $0x8F2B, s0  }
0x35: {  	[sflag:s0] =	ssyncadd.remote.s32 $0x1  }
0x36: {  	_ =	sfence.sel $0xFFFF  }
0x37: {  	[dreg:$0x0] =	wrdreg $0xFFFFFFFF;
	(pc) =	sbr.abs _section_cstart, $3  }
0x38: {  	[dreg:$0x1] =	wrdreg $0xFFFFFFFF  }
0x39: {  	_ =	task.clear_ibuf [dreg:s7], $0x2FFFF;
	_ =	strace $0x9FFFFFFF  }
0x3a: {  	(tm) =	ssettm $0x7FFFFFFF  }
0x3b: {  	_ =	shalt  }
tec
execute0_lowered:
.L_overlay_start_1:
0x0: {  	(tag) =	ssettag $0x1  }
0x1: {  	s0 =	srdreg.scid  }
0x2: {  	s1 =	sshll.u32 s0, $0x4  }
0x3: {  	s3 =	rddreg [dreg:$0x0];
	s0 =	stileid.u32;
	s1 =	sand.u32 $0x10, s1  }
0x4: {  	s6 =	rddreg [dreg:$0x1];
	s5 =	simm.s32 $0x1;
	s1 =	sor.u32 s0, s1  }
0x5: {  	s31 =	simm.s32 $0x2;
	s15 =	simm.s32 $0x0;
	s2 =	sshll.u32 s1, $0x3  }
0x6: {  	s8 =	simm.s32 $0x30000;
	s9 =	simm.s32 $0x0;
	s4 =	ssub.s32 $0x100, s2  }
0x7: {  	s14 =	simm.s32 $0x0;
	s16 =	simm.s32 $0x0;
	s30 =	sand.u32 $0xF8, s4  }
0x8: {  	s10 =	simm.s32 $0x0;
	s11 =	simm.s32 $0x0;
	p0 =	sne.s32 s30, $0x0  }
.Ltmp0:
0x9: {  	s7 =	sshrl.u32 s4, $0x8;
	s5 =	simm.s32 @!p0 $0x0;
	(pc) =	sbr.rel .LBB1_1-.Ltmp0, $4  }
0xa: {  	s13 =	simm.s32 $0x0;
	s1 =	rddreg [dreg:$0x2];
	s5 =	sadd.s32 s5, s7  }
0xb: {  	_ =	strace $0x8000004A;
	s4 =	simm.s32 $0x1;
	s5 =	smul.u32 $0x2D, s5  }
0xc: {  	s22 =	simm.s32 $0x0;
	s6 =	sadd.s32 $0x600, s6;
	[sflag:s4] =	ssyncpa.u1 $0x0  }
0xd: {  	s12 =	smov.u32 s2;
	[sflag:s31] =	ssyncpa.u1 $0x0;
	s7 =	sadd.s32 $0x1, s5  }
.LBB1_7:
0xe: {  	s17 =	sadd.s32 $0x100, s10  }
0xf: {  	s14 =	sadd.s32 $0x8, s11;
	s18 =	smov.u32 s11;
	p1 =	sgt.s32 s17, $0x2FF  }
0x10: {  	s18 =	smov.u32 @p1 s14  }
0x11: {  	s20 =	smov.u32 s12;
	s14 =	sadd.s32 $0x100, s12;
	p2 =	sgt.s32 s18, $0x77  }
0x12: {  	s20 =	smov.u32 @p2 s14  }
0x13: {  	s17 =	simm.s32 @p1 $0x0;
	p1 =	sgt.s32 s20, $0xFF  }
0x14: {  	p0 =	slt.u32 s13, $0x2;
	s20 =	smov.u32 @p1 s2;
	p1 =	sne.s32 s13, s7  }
.Ltmp1:
0x15: {  	s19 =	simm.s32 @!p0 $0x2;
	(pc) =	sbr.rel @!p1 .LBB1_8-.Ltmp1, $4  }
0x16: {  	s15 =	smov.u32 s10;
	s16 =	smov.u32 s12;
	_ =	swait.ge @!p0 [sflag:s19], $0x4000  }
0x17: {  	s9 =	sadd.s32 $0x4000, s9;
	[sflag:s19] =	ssyncset.done @!p0 $0x0;
	s10 =	smov.u32 s17  }
0x18: {  	s18 =	simm.s32 @p2 $0x0;
	s14 =	smov.u32 s11;
	[sflag:s19] =	ssyncadd.s32 @!p0 $0xFFFFC000  }
0x19: {  	s11 =	smov.u32 s18;
	s13 =	sadd.s32 $0x1, s13;
	s12 =	smov.u32 s20  }
.LBB1_1:
0x1a: {  	p0 =	sge.u32 s13, s5  }
0x1b: {  	s17 =	sshrl.u32 @!p0 s11, $0x3  }
0x1c: {  	s18 =	sshll.u32 @!p0 s10, $0x3;
	s17 =	smul.u32 @!p0 $0x1800, s17  }
0x1d: {  	s19 =	sshll.u32 @!p0 s11, $0x7;
	s18 =	sand.u32 @!p0 $0xFFFFFC00, s18  }
0x1e: {  	s17 =	sadd.s32 @!p0 s17, s18;
	s18 =	sand.u32 @!p0 $0x380, s19  }
0x1f: {  	s17 =	sor.u32 @!p0 s18, s17  }
0x20: {  	s18 =	sand.u32 @!p0 $0x7F, s10;
	s19 =	smulhi.u32 @!p0 $0xAAAAAAAB, s17  }
0x21: {  	s17 =	sor.u32 @!p0 s18, s17  }
0x22: {  	s18 =	smulhi.u32 @!p0 $0xAAAAAAAB, s17;
	s19 =	sshrl.u32 @!p0 s19, $0x9  }
0x23: {  	s20 =	smulhi.u32 @!p0 $0x2222223, s19;
	_ =	sdelay $0x1  }
0x24: {  	s18 =	sshrl.u32 @!p0 s18, $0x9;
	s20 =	smul.u32 @!p0 $0x78, s20  }
0x25: {  	s31 =	sadd.s32 $0xFFFFFFFF, s13;
	s18 =	smul.u32 @!p0 $0x300, s18  }
0x26: {  	s21 =	sxor.u32 @!p0 $0xFFFFFFFF, s13;
	s19 =	ssub.s32 @!p0 s19, s20;
	s20 =	smul.u32 @!p0 $0x2D00, s12  }
0x27: {  	s21 =	sshll.u32 @!p0 s21, $0xE;
	s17 =	ssub.s32 @!p0 s17, s18;
	s18 =	smul.u32 @!p0 $0x60, s19  }
0x28: {  	s19 =	sand.u32 @!p0 $0x4000, s21;
	s21 =	sand.u32 @!p0 $0x7, s17;
	s20 =	sadd.s32 @!p0 s3, s20  }
0x29: {  	s17 =	sshrl.u32 @!p0 s17, $0x3;
	s18 =	sadd.s32 @!p0 s18, s20;
	s20 =	sshll.u32 @!p0 s21, $0x12  }
0x2a: {  	s17 =	sadd.s32 @!p0 s17, s18;
	s18 =	sor.u32 @!p0 $0x800, s20;
	s20 =	simm.s32 @!p0 $0x16800  }
0x2b: {  	[tilespmem:s19], [sflag:$0x1] =	stream.strided.gather @!p0 [hbm4b:s17+s18], $0x4000, s20, s18, $0x38;
	[tilespmem:$0x10000] =	vst v63  }
0x2c: {  	p0 =	sge.u32 s31, s5  }
.Ltmp2:
0x2d: {  	_ = 	snop;
	(pc) =	sbr.rel @p0 .LBB1_7-.Ltmp2, $1  }
0x2e: {  	_ =	sdelay $0x3  }
0x2f: {  	s17 =	sshll.u32 s9, $0x2;
	_ =	swait.ge [sflag:s4], $0x4000;
	s31 =	sshll.u32 s13, $0xE  }
0x30: {  	p0 =	por $0x0, $0x0;
	s23 =	simm.s32 $0x0;
	s24 =	simm.s32 $0x0  }
0x31: {  	s17 =	sand.u32 $0x10000, s17;
	[sflag:s4] =	ssyncset.done $0x0;
	s20 =	sand.u32 $0x4000, s31  }
0x32: {  	s21 =	sshrl.u32 s17, $0x2;
	[sflag:s4] =	ssyncadd.s32 $0xFFFFC000;
	s17 =	sor.u32 $0x8000, s20  }
0x33: {  	s18 =	sor.u32 $0x40, s21;
	s19 =	sor.u32 $0x8410, s21;
	s21 =	sadd.s32 $0x8400, s21  }
.LBB1_3:
0x34: {  	v1 =	vld [tilespmem:s18+$0xFFFFFFD0]  }
0x35: {  	v2 =	vld [tilespmem:s18+$0x430]  }
0x36: {  	s25 =	sshll.u32 s24, $0xB;
	v4 =	vld [tilespmem:s18+$0xFFFFFFE0]  }
0x37: {  	v7 =	vld [tilespmem:s18+$0xFFFFFFF0];
	v0 =	vmov s25  }
0x38: {  	v8 =	vld [tilespmem:s18+$0x0]  }
0x39: {  	s31 =	sand.u32 $0x300, s22;
	v9 =	vld [tilespmem:s18+$0x10]  }
0x3a: {  	s26 =	sand.u32 $0x80, s22;
	v10 =	vld [tilespmem:s18+$0x20];
	s25 =	sadd.s32 s31, s20  }
0x3b: {  	v11 =	vld [tilespmem:s18+$0x30];
	s25 =	sadd.s32 s26, s25;
	s26 =	simm.s32 $0x1;
	[tilespmem:s19+$0x60] =	vst v2  }
0x3c: {  	s31 =	sshll.u32 s23, $0x2;
	s26 =	simm.s32 @!p0 $0x0;
	[tilespmem:s19+$0xFFFFFC00] =	vst v1;
	v3 =	vld.idx.msk [tilespmem:v0+s25+$0x400 ss:$0x1], $0xffff  }
0x3d: {  	v6 =	vld [tilespmem:s18+$0x3D0];
	s26 =	sshll.u32 s26, $0x9;
	[tilespmem:s19+$0xFFFFFC10] =	vst v4;
	s25 =	sand.u32 $0xFFFFFC00, s31  }
0x3e: {  	v5 =	vld [tilespmem:s18+$0x3E0];
	[tilespmem:s19+$0xFFFFFC20] =	vst v7;
	s25 =	sor.u32 s26, s25  }
0x3f: {  	[tilespmem:s19+$0xFFFFFC30] =	vst v8;
	v4 =	vld [tilespmem:s18+$0x400];
	s25 =	sshrl.u32 s25, $0x2  }
0x40: {  	[tilespmem:s19+$0xFFFFFC40] =	vst v9;
	v1 =	vld [tilespmem:s18+$0x410];
	s25 =	sadd.s32 s25, s21  }
0x41: {  	[tilespmem:s25+$0x0] =	vst v3;
	v3 =	vld [tilespmem:s18+$0x3F0]  }
0x42: {  	s29 =	simm.s32 $0x80;
	s28 =	simm.s32 $0x100;
	[tilespmem:s19+$0xFFFFFC50] =	vst v10;
	v2 =	vld [tilespmem:s18+$0x420]  }
0x43: {  	s27 =	smov.u32 s19;
	s30 =	sand.u32 $0x300, s29;
	v7 =	vld [tilespmem:s18+$0xFFFFFFC0];
	[tilespmem:s19+$0xFFFFFC60] =	vst v11;
	s26 =	sadd.s32 $0x80, s18  }
.LBB1_4:
0x44: {  	p1 =	sne.s32 s28, $0x380;
	v8 =	vld [tilespmem:s26+$0xFFFFFFD0];
	s29 =	sand.u32 $0x80, s29;
	s30 =	sadd.s32 s30, s20;
	[tilespmem:s27+$0x0] =	vst v6  }
0x45: {  	s30 =	sadd.s32 s29, s30;
	v6 =	vld [tilespmem:s26+$0x430];
	[tilespmem:s27+$0x10] =	vst v5;
	s29 =	smov.u32 s28  }
0x46: {  	v5 =	vld.idx.msk [tilespmem:v0+s30+$0x400 ss:$0x1], $0xffff;
	[tilespmem:s27+$0x20] =	vst v3  }
0x47: {  	v3 =	vld [tilespmem:s26+$0xFFFFFFE0];
	[tilespmem:s27+$0x30] =	vst v4  }
0x48: {  	v4 =	vld [tilespmem:s26+$0xFFFFFFF0];
	[tilespmem:s27+$0xFFFFFBF0] =	vst v7  }
0x49: {  	v7 =	vld [tilespmem:s26+$0x0];
	[tilespmem:s27+$0x40] =	vst v1  }
0x4a: {  	v1 =	vld [tilespmem:s26+$0x10];
	[tilespmem:s27+$0x50] =	vst v2;
	s27 =	sadd.s32 $0x800, s27  }
0x4b: {  	s25 =	sadd.s32 $0x800, s25;
	v2 =	vld [tilespmem:s26+$0x20];
	[tilespmem:s27+$0x60] =	vst v6  }
0x4c: {  	v9 =	vld [tilespmem:s26+$0x30];
	[tilespmem:s25+$0x0] =	vst v5  }
0x4d: {  	[tilespmem:s27+$0xFFFFFC00] =	vst v8;
	v6 =	vld [tilespmem:s26+$0x3D0]  }
0x4e: {  	[tilespmem:s27+$0xFFFFFC10] =	vst v3;
	v5 =	vld [tilespmem:s26+$0x3E0]  }
.Ltmp3:
0x4f: {  	[tilespmem:s27+$0xFFFFFC20] =	vst v4;
	v3 =	vld [tilespmem:s26+$0x3F0];
	(pc) =	sbr.rel @p1 .LBB1_4-.Ltmp3, $4  }
0x50: {  	[tilespmem:s27+$0xFFFFFC30] =	vst v7;
	v4 =	vld [tilespmem:s26+$0x400]  }
0x51: {  	[tilespmem:s27+$0xFFFFFC40] =	vst v1;
	v1 =	vld [tilespmem:s26+$0x410]  }
0x52: {  	[tilespmem:s27+$0xFFFFFC50] =	vst v2;
	v2 =	vld [tilespmem:s26+$0x420]  }
0x53: {  	s28 =	sadd.s32 $0x80, s28;
	s30 =	sand.u32 $0x300, s29;
	v7 =	vld [tilespmem:s26+$0xFFFFFFC0];
	[tilespmem:s27+$0xFFFFFC60] =	vst v9;
	s26 =	sadd.s32 $0x80, s26  }
0x54: {  	[tilespmem:s27+$0x0] =	vst v6  }
0x55: {  	[tilespmem:s27+$0x10] =	vst v5  }
0x56: {  	v49 =	vld [tilespmem:s26+$0x430];
	[tilespmem:s27+$0x20] =	vst v3  }
0x57: {  	v50 =	vld [tilespmem:s26+$0xFFFFFFD0];
	[tilespmem:s27+$0x30] =	vst v4  }
0x58: {  	v51 =	vld [tilespmem:s26+$0xFFFFFFE0];
	[tilespmem:s27+$0x40] =	vst v1  }
0x59: {  	v52 =	vld [tilespmem:s26+$0xFFFFFFF0];
	[tilespmem:s27+$0x50] =	vst v2  }
0x5a: {  	s31 =	sadd.s32 $0x800, s27;
	v53 =	vld [tilespmem:s26+$0x0];
	[tilespmem:s27+$0xFFFFFBF0] =	vst v7  }
0x5b: {  	v54 =	vld [tilespmem:s26+$0x10];
	[tilespmem:s31+$0x60] =	vst v49  }
0x5c: {  	v55 =	vld [tilespmem:s26+$0x20];
	[tilespmem:s31+$0xFFFFFC00] =	vst v50  }
0x5d: {  	v56 =	vld [tilespmem:s26+$0x30];
	[tilespmem:s31+$0xFFFFFC10] =	vst v51  }
0x5e: {  	v57 =	vld [tilespmem:s26+$0x3D0];
	[tilespmem:s31+$0xFFFFFC20] =	vst v52  }
0x5f: {  	v58 =	vld [tilespmem:s26+$0x3E0];
	[tilespmem:s31+$0xFFFFFC30] =	vst v53  }
0x60: {  	v59 =	vld [tilespmem:s26+$0x3F0];
	[tilespmem:s31+$0xFFFFFC40] =	vst v54  }
0x61: {  	v60 =	vld [tilespmem:s26+$0x400];
	[tilespmem:s31+$0xFFFFFC50] =	vst v55  }
0x62: {  	v61 =	vld [tilespmem:s26+$0xFFFFFFC0];
	[tilespmem:s31+$0xFFFFFC60] =	vst v56  }
0x63: {  	s28 =	sand.u32 $0x80, s29;
	s30 =	sadd.s32 s30, s20;
	v62 =	vld [tilespmem:s26+$0x410];
	[tilespmem:s31+$0x0] =	vst v57  }
0x64: {  	v63 =	vld [tilespmem:s26+$0x420];
	s24 =	sadd.s32 $0x1, s24;
	s28 =	sadd.s32 s28, s30;
	[tilespmem:s31+$0x10] =	vst v58  }
0x65: {  	p1 =	sne.s32 s24, $0x8;
	v0 =	vld.idx.msk [tilespmem:v0+s28+$0x400 ss:$0x1], $0xffff;
	[tilespmem:s31+$0x20] =	vst v59  }
.Ltmp4:
0x66: {  	[tilespmem:s31+$0x30] =	vst v60;
	(pc) =	sbr.rel @p1 .LBB1_3-.Ltmp4, $4  }
0x67: {  	[tilespmem:s31+$0xFFFFFBF0] =	vst v61  }
0x68: {  	[tilespmem:s31+$0x40] =	vst v62  }
0x69: {  	s25 =	sadd.s32 $0x800, s25;
	s18 =	sadd.s32 $0x800, s18;
	[tilespmem:s31+$0x50] =	vst v63  }
0x6a: {  	s23 =	sadd.s32 $0x80, s23;
	p0 =	por !p0, !p0;
	s19 =	sadd.s32 $0x80, s19;
	[tilespmem:s25+$0x0] =	vst v0  }
0x6b: {  	s18 =	sshrl.u32 s16, $0x3  }
0x6c: {  	s19 =	sshll.u32 s15, $0x3;
	s18 =	smul.u32 $0x1800, s18  }
0x6d: {  	s27 =	sshll.u32 s16, $0x7;
	s19 =	sand.u32 $0xFFFFFC00, s19  }
0x6e: {  	s16 =	sand.u32 $0x380, s27;
	s18 =	sadd.s32 s18, s19  }
0x6f: {  	s28 =	sand.u32 $0x7F, s15;
	s16 =	sor.u32 s16, s18  }
0x70: {  	s15 =	sor.u32 s28, s16;
	s16 =	smulhi.u32 $0xAAAAAAAB, s16  }
0x71: {  	s29 =	smulhi.u32 $0xAAAAAAAB, s15;
	_ =	sdelay $0x1  }
0x72: {  	s14 =	smul.u32 $0x6000, s14;
	s16 =	sshrl.u32 s16, $0x9;
	s18 =	sshrl.u32 s29, $0x9  }
0x73: {  	s16 =	sand.u32 $0xFF, s16;
	s18 =	smul.u32 $0x300, s18  }
0x74: {  	s16 =	smul.u32 $0x60, s16  }
.Ltmp5:
0x75: {  	s15 =	ssub.s32 s15, s18;
	(pc) =	sbr.rel .LBB1_7-.Ltmp5, $4  }
0x76: {  	s14 =	sadd.s32 s6, s14;
	s18 =	sand.u32 $0x7, s15  }
0x77: {  	s14 =	sadd.s32 s16, s14;
	s15 =	sshrl.u32 s15, $0x3;
	s30 =	sshll.u32 s18, $0x12  }
0x78: {  	s14 =	sadd.s32 s15, s14;
	s31 =	sor.u32 $0x800, s30  }
0x79: {  	[hbm4b:s14+s31] =	stream.strided.scatter [tilespmem:s17], [sflag:$0x2], $0x4000, s8, s31, $0x38;
	[tilespmem:$0x10000] =	vst v63  }
.LBB1_8:
0x7a: {  	_ =	sfence.sel $0x180000  }
0x7b: {  	s2 =	simm.s32 $0x1;
	[bflag:$0x0] =	sbarrier.arrive $0xFFFF  }
0x7c: {  	s31 =	simm.s32 $0x2;
	[sflag:s2] =	ssyncpa.u1 $0x1  }
0x7d: {  	[sflag:s31] =	ssyncpa.u1 $0x1  }
0x7e: {  	p0 =	sne.s32 s0, $0x0;
	_ =	strace $0x9000004A  }
0x7f: {  	s0 =	sadd.s32 @!p0 $0x100000, s1;
	[bflag:$0x2] =	sbarrier.arrive $0xFFFF  }
0x80: {  	[sflag:s0] =	ssyncadd.tile.s32 @!p0 $0x1;
	_ =	shalt  }
.Lfunc_end1:
_tile_overlayer_lowered:
.L_overlay_start_2:
0x81: {  	(tag) =	ssettag $0x2  }
0x82: {  	s0 =	rddreg [dreg:$0x0];
	s2 =	stileid.u32  }
0x83: {  	s1 =	rddreg [dreg:$0x1];
	p0 =	sne.s32 s2, $0x0  }
0x84: {  	s3 =	rddreg [dreg:$0x2];
	[bflag:$0x3] =	sbarrier.arrive $0xFFFF;
	s2 =	simm.s32 @!p0 $0x1C01  }
0x85: {  	[timem:s3], [sflag:s2] =	dma.local @!p0 [hbm:s0], s1  }
0x86: {  	s0 =	simm.s32 @!p0 $0x1  }
0x87: {  	_ =	swait.ge @!p0 [sflag:s0], s1  }
0x88: {  	s1 =	ssub.s32 @!p0 $0x0, s1;
	[sflag:s0] =	ssyncset.done @!p0 $0x0  }
0x89: {  	[sflag:s0] =	ssyncadd.s32 @!p0 s1  }
0x8a: {  	[bflag:$0x3] =	sbarrier.arrive $0xFFFF  }
0x8b: {  	_ =	shalt  }

// kernel: sparse-core-data-format-call.cloned.1.call-start
scs
called_computation_lowered:
.L_overlay_start_0:
0x0: {  	s2 =	sld [smem:$0x3FD9]  }
0x1: {  	s3 =	sld [smem:$0x3FFE];
	_ =	sdelay $0x1  }
0x2: {  	s1 =	srdreg.scid  }
0x3: {  	s0 =	sand.u32 $0x1, s1  }
0x4: {  	s18 =	sshll.u32 s0, $0xA;
	s2 =	sadd.s32 s3, s2  }
0x5: {  	s2 =	sadd.s32 s2, s18  }
0x6: {  	[smem:$0x3FC6] =	sst s2  }
0x7: {  	_ = 	snop  }
0x8: {  	s2 =	sld [smem:$0x3FD0];
	(tm) =	ssettm $0x1  }
0x9: {  	s19 =	sld [smem:$0x3FFB];
	_ =	sdelay $0x3  }
0xa: {  	_ =	strace s19  }
0xb: {  	s3 =	sld [smem:$0x3FFC];
	_ =	sdelay $0x3  }
0xc: {  	_ =	strace s3  }
0xd: {  	s3 =	sld [smem:$0x3FFD];
	_ =	sdelay $0x3  }
0xe: {  	_ =	strace s3  }
0xf: {  	_ =	strace $0x8FFFFFFF  }
0x10: {  	s20 =	sld [smem:$0x3FDB];
	_ =	sdelay $0x1  }
0x11: {  	s4 =	simm.s32 $_scs_section_size  }
0x12: {  	s5 =	simm.s32 $_size__tile_overlayer_lowered;
	s6 =	simm.s32 $_tile_overlayer_lowered  }
0x13: {  	s23 =	simm.s32 $0x1BFF;
	s22 =	sshll.u32 s6, $0x1;
	s3 =	sadd.s32 s4, s20  }
0x14: {  	s7 =	simm.s32 $0x0;
	s21 =	sshll.u32 s5, $0x1;
	s5 =	sadd.s32 s22, s3  }
0x15: {  	[timem:s7], [sflag:s23] =	dma.local [hbm:s5], s21  }
0x16: {  	_ =	swait.ge [sflag:s23], s21  }
0x17: {  	s4 =	ssub.s32 $0x0, s21;
	[sflag:s23] =	ssyncset.done $0x0  }
0x18: {  	[sflag:s23] =	ssyncadd.s32 s4;
	_ =	sdelay $0x1  }
0x19: {  	s24 =	simm.s32 $0x1B8B  }
0x1a: {  	_ =	swait.ge [sflag:s24], $0x1  }
0x1b: {  	[sflag:s24] =	ssyncset.done $0x0  }
0x1c: {  	s26 =	simm.s32 $0x1B8E;
	s25 =	sld [smem:$0x3FFE];
	[sflag:s24] =	ssyncadd.s32 $0xFFFFFFFF  }
0x1d: {  	s27 =	simm.s32 $execute0_lowered;
	[smem:$0x3FD2] =	sst s26  }
0x1e: {  	s5 =	sshll.u32 s27, $0x1;
	_ =	strace $0x8000004C;
	[dreg:$0x1] =	wrdreg $0xFFFFFFFF  }
0x1f: {  	s28 =	simm.s32 $_size_execute0_lowered;
	s3 =	sadd.s32 s3, s5;
	[dreg:$0x0] =	wrdreg $0x0  }
0x20: {  	s5 =	sshll.u32 s28, $0x1;
	[dreg:$0x2] =	wrdreg s3  }
0x21: {  	[dreg:$0x3] =	wrdreg s5  }
0x22: {  	[dreg:$0x4] =	wrdreg $0xC0  }
0x23: {  	_ =	task [dreg:s7], $0x5FFFF  }
0x24: {  	[dreg:$0x1] =	wrdreg $0xFFFFFFFF  }
0x25: {  	[dreg:$0x0] =	wrdreg $0x60  }
0x26: {  	[dreg:$0x2] =	wrdreg s25  }
0x27: {  	[dreg:$0x3] =	wrdreg s2  }
0x28: {  	[dreg:$0x4] =	wrdreg $0x9  }
0x29: {  	_ =	task.clear_ibuf [dreg:s7], $0x5FFFF;
	_ =	strace $0x9000004C  }
0x2a: {  	s29 =	simm.s32 $0x9;
	_ =	strace $0x8000004E  }
0x2b: {  	_ =	swait.ge [sflag:s29], $0x1  }
0x2c: {  	[sflag:s29] =	ssyncadd.s32 $0xFFFFFFFF  }
0x2d: {  	_ =	strace $0x9000004E  }
0x2e: {  	_ =	sfence  }
0x2f: {  	s30 =	sld [smem:$0x0];
	_ =	sdelay $0x2  }
0x30: {  	s31 =	sshll.u32 s1, $0xD;
	s1 =	sshrl.u32 s1, $0x2  }
0x31: {  	s3 =	sand.u32 $0x4000, s31;
	s1 =	sadd.s32 s1, s30  }
0x32: {  	s0 =	sor.u32 s3, s0;
	s1 =	sshll.u32 s1, $0x11  }
0x33: {  	s0 =	sor.u32 s1, s0  }
0x34: {  	s0 =	sadd.s32 $0x8F2B, s0  }
0x35: {  	[sflag:s0] =	ssyncadd.remote.s32 $0x1  }
0x36: {  	_ =	sfence.sel $0xFFFF  }
0x37: {  	[dreg:$0x0] =	wrdreg $0xFFFFFFFF;
	(pc) =	sbr.abs _section_cstart, $3  }
0x38: {  	[dreg:$0x1] =	wrdreg $0xFFFFFFFF  }
0x39: {  	_ =	task.clear_ibuf [dreg:s7], $0x2FFFF;
	_ =	strace $0x9FFFFFFF  }
0x3a: {  	(tm) =	ssettm $0x7FFFFFFF  }
0x3b: {  	_ =	shalt  }
tec
execute0_lowered:
.L_overlay_start_1:
0x0: {  	(tag) =	ssettag $0x1  }
0x1: {  	s0 =	srdreg.scid;
	s5 =	rddreg [dreg:$0x0];
	s9 =	simm.s32 $0x2  }
0x2: {  	s21 =	simm.s32 $0x0;
	s10 =	simm.s32 $0x16800;
	s0 =	sshll.u32 s0, $0x7  }
0x3: {  	s11 =	simm.s32 $0x0;
	s18 =	simm.s32 $0x0;
	s1 =	sand.u32 $0x80, s0  }
0x4: {  	s19 =	simm.s32 $0x0;
	s0 =	stileid.u32;
	s2 =	ssub.s32 $0x100, s1  }
0x5: {  	s20 =	simm.s32 $0x0;
	s3 =	sshrl.u32 s0, $0x2;
	s4 =	sshrl.u32 s2, $0x7  }
0x6: {  	s6 =	ssub.s32 $0x9, s3;
	s2 =	sshrl.u32 s2, $0x8;
	s7 =	sand.u32 $0x1, s4  }
0x7: {  	s22 =	simm.s32 $0x0;
	s6 =	sshrl.u32 s6, $0x2;
	s7 =	sadd.s32 s2, s7  }
0x8: {  	s12 =	simm.s32 $0x0;
	s15 =	simm.s32 $0x0;
	s7 =	smul.u32 s7, s6  }
.Ltmp0:
0x9: {  	s17 =	simm.s32 $0x0;
	s4 =	rddreg [dreg:$0x1];
	(pc) =	sbr.rel .LBB1_1-.Ltmp0, $4  }
0xa: {  	s5 =	sadd.s32 $0x600, s5;
	s8 =	sand.u32 $0x3, s0;
	s2 =	rddreg [dreg:$0x2]  }
0xb: {  	_ =	strace $0x8000004D;
	s6 =	simm.s32 $0x1;
	s7 =	smul.u32 $0x1E, s7  }
0xc: {  	s13 =	smov.u32 s1;
	s14 =	smov.u32 s3;
	[sflag:s6] =	ssyncpa.u1 $0x0  }
0xd: {  	s16 =	smov.u32 s8;
	[sflag:s9] =	ssyncpa.u1 $0x0;
	s9 =	sor.u32 $0x1, s7  }
.LBB1_4:
0xe: {  	_ =	sdelay $0x2  }
0xf: {  	s26 =	sshrl.u32 s22, $0x2  }
0x10: {  	s27 =	sshll.u32 s21, $0x2;
	[tilespmem:v0+s25+$0xFFFFFFA0 ss:$0x1] =	vst.idx.msk $0xffff, v6;
	s26 =	smul.u32 $0xC00, s26  }
0x11: {  	s31 =	sshll.u32 s22, $0x7;
	v56 =	vld.idx.msk [tilespmem:v1+s24+$0x30 ss:$0x1], $0xffff;
	[tilespmem:v0+s25+$0xFFFFFFB0 ss:$0x1] =	vst.idx.msk $0xffff, v5;
	s27 =	sand.u32 $0xFFFFFE00, s27  }
0x12: {  	v57 =	vld.idx.msk [tilespmem:v1+s24+$0xFFFFFFC0 ss:$0x1], $0xffff;
	[tilespmem:v0+s25+$0xFFFFFFC0 ss:$0x1] =	vst.idx.msk $0xffff, v3;
	s22 =	sand.u32 $0x180, s31;
	s26 =	sadd.s32 s26, s27  }
0x13: {  	v58 =	vld.idx.msk [tilespmem:v1+s24+$0xFFFFFFD0 ss:$0x1], $0xffff;
	[tilespmem:v0+s25+$0xFFFFFFD0 ss:$0x1] =	vst.idx.msk $0xffff, v2;
	s27 =	sand.u32 $0x7F, s21;
	s22 =	sor.u32 s22, s26  }
0x14: {  	v59 =	vld.idx.msk [tilespmem:v1+s24+$0xFFFFFFE0 ss:$0x1], $0xffff;
	[tilespmem:v0+s25+$0xFFFFFFE0 ss:$0x1] =	vst.idx.msk $0xffff, v4;
	s20 =	smul.u32 $0x900, s20;
	s21 =	sor.u32 s27, s22  }
0x15: {  	[tilespmem:v0+s25+$0xFFFFFFF0 ss:$0x1] =	vst.idx.msk $0xffff, v7;
	v60 =	vld.idx.msk [tilespmem:v1+s24+$0xFFFFFFF0 ss:$0x1], $0xffff;
	s28 =	smulhi.u32 $0xAAAAAAAB, s21  }
0x16: {  	v61 =	vld.idx.msk [tilespmem:v1+s24+$0x0 ss:$0x1], $0xffff;
	[tilespmem:v0+s24+$0x0 ss:$0x1] =	vst.idx.msk $0xffff, v56;
	s22 =	smulhi.u32 $0xAAAAAAAB, s22  }
0x17: {  	v62 =	vld.idx.msk [tilespmem:v1+s24+$0x10 ss:$0x1], $0xffff;
	s19 =	smul.u32 $0x180, s19;
	[tilespmem:v0+s24+$0xFFFFFF90 ss:$0x1] =	vst.idx.msk $0xffff, v57;
	s26 =	sshrl.u32 s28, $0x9  }
0x18: {  	v63 =	vld.idx.msk [tilespmem:v1+s24+$0x20 ss:$0x1], $0xffff;
	[tilespmem:v0+s24+$0xFFFFFFA0 ss:$0x1] =	vst.idx.msk $0xffff, v58;
	s22 =	sshrl.u32 s22, $0x9;
	s29 =	smul.u32 $0x300, s26  }
0x19: {  	s18 =	smul.u32 $0x2D00, s18;
	s20 =	sadd.s32 s4, s20;
	[tilespmem:v0+s24+$0xFFFFFFB0 ss:$0x1] =	vst.idx.msk $0xffff, v59;
	s22 =	sand.u32 $0x3, s22  }
0x1a: {  	s19 =	sadd.s32 s19, s20;
	[tilespmem:v0+s24+$0xFFFFFFC0 ss:$0x1] =	vst.idx.msk $0xffff, v60;
	s22 =	smul.u32 $0x60, s22;
	s21 =	ssub.s32 s21, s29  }
0x1b: {  	s18 =	sadd.s32 s18, s19;
	[tilespmem:v0+s24+$0xFFFFFFD0 ss:$0x1] =	vst.idx.msk $0xffff, v61;
	s30 =	sand.u32 $0x7, s21  }
0x1c: {  	[tilespmem:v0+s24+$0xFFFFFFE0 ss:$0x1] =	vst.idx.msk $0xffff, v62;
	s18 =	sadd.s32 s22, s18;
	s31 =	sshrl.u32 s21, $0x3;
	s19 =	sshll.u32 s30, $0x12  }
0x1d: {  	[tilespmem:v0+s24+$0xFFFFFFF0 ss:$0x1] =	vst.idx.msk $0xffff, v63;
	s18 =	sadd.s32 s31, s18;
	s19 =	sor.u32 $0x80, s19  }
0x1e: {  	[hbm4b:s18+s19] =	stream.strided.scatter [tilespmem:s23], [sflag:$0x2], $0x4000, s10, s19, $0x38;
	[tilespmem:$0x10000] =	vst v63  }
.LBB1_5:
0x1f: {  	s23 =	sadd.s32 $0x80, s12  }
0x20: {  	s18 =	sadd.s32 $0x100, s13;
	s24 =	smov.u32 s13;
	p1 =	sgt.s32 s23, $0x2FF  }
0x21: {  	s24 =	smov.u32 @p1 s18  }
0x22: {  	s25 =	smov.u32 s14;
	s18 =	sadd.s32 $0x4, s14;
	p2 =	sgt.s32 s24, $0xFF  }
0x23: {  	s25 =	smov.u32 @p2 s18  }
0x24: {  	s18 =	simm.s32 $0x1;
	p3 =	sgt.s32 s25, $0x5  }
0x25: {  	s18 =	simm.s32 @!p3 $0x0  }
0x26: {  	p0 =	slt.u32 s17, $0x2;
	s27 =	smov.u32 s16;
	s26 =	sadd.s32 s18, s15  }
0x27: {  	s21 =	smov.u32 s12;
	s18 =	sadd.s32 $0x4, s16;
	p4 =	sgt.s32 s26, $0x4  }
0x28: {  	s19 =	smov.u32 s14;
	s20 =	smov.u32 s15;
	s27 =	smov.u32 @p4 s18  }
0x29: {  	s22 =	smov.u32 s16;
	s23 =	simm.s32 @p1 $0x0;
	p1 =	sgt.s32 s27, $0x3  }
0x2a: {  	s28 =	simm.s32 @!p0 $0x2;
	s27 =	smov.u32 @p1 s8;
	p1 =	sne.s32 s17, s9  }
.Ltmp1:
0x2b: {  	s11 =	sadd.s32 $0x4000, s11;
	_ =	swait.ge @!p0 [sflag:s28], $0x4000;
	(pc) =	sbr.rel @!p1 .LBB1_6-.Ltmp1, $4  }
0x2c: {  	[sflag:s28] =	ssyncset.done @!p0 $0x0;
	s12 =	smov.u32 s23;
	s25 =	smov.u32 @p3 s3  }
0x2d: {  	s24 =	smov.u32 @p2 s1;
	[sflag:s28] =	ssyncadd.s32 @!p0 $0xFFFFC000;
	s14 =	smov.u32 s25  }
0x2e: {  	s26 =	simm.s32 @p4 $0x0;
	s18 =	smov.u32 s13;
	s13 =	smov.u32 s24  }
0x2f: {  	s15 =	smov.u32 s26;
	s17 =	sadd.s32 $0x1, s17;
	s16 =	smov.u32 s27  }
.LBB1_1:
0x30: {  	p0 =	sge.u32 s17, s7  }
0x31: {  	s23 =	sshrl.u32 @!p0 s13, $0x3  }
0x32: {  	s24 =	sshll.u32 @!p0 s12, $0x3;
	s23 =	smul.u32 @!p0 $0x1800, s23  }
0x33: {  	s25 =	sshll.u32 @!p0 s13, $0x7;
	s24 =	sand.u32 @!p0 $0xFFFFFC00, s24  }
0x34: {  	s23 =	sadd.s32 @!p0 s23, s24;
	s24 =	sand.u32 @!p0 $0x380, s25  }
0x35: {  	s27 =	smul.u32 @!p0 $0xB4000, s16;
	s25 =	sand.u32 @!p0 $0x7F, s12;
	s23 =	sor.u32 @!p0 s24, s23  }
0x36: {  	s28 =	smul.u32 @!p0 $0x24000, s15;
	s24 =	sor.u32 @!p0 s25, s23  }
0x37: {  	s25 =	smulhi.u32 @!p0 $0xAAAAAAAB, s24  }
0x38: {  	s23 =	smulhi.u32 @!p0 $0xAAAAAAAB, s23  }
0x39: {  	s31 =	sadd.s32 $0xFFFFFFFF, s17;
	s29 =	smul.u32 @!p0 $0x6000, s14;
	s25 =	sshrl.u32 @!p0 s25, $0x9  }
0x3a: {  	s26 =	sxor.u32 @!p0 $0xFFFFFFFF, s17;
	s23 =	sshrl.u32 @!p0 s23, $0x9;
	s25 =	smul.u32 @!p0 $0x300, s25  }
0x3b: {  	s26 =	sshll.u32 @!p0 s26, $0xE;
	s27 =	sadd.s32 @!p0 s5, s27;
	s23 =	sand.u32 @!p0 $0xFF, s23  }
0x3c: {  	s23 =	smul.u32 @!p0 $0x60, s23;
	s24 =	ssub.s32 @!p0 s24, s25;
	s25 =	sadd.s32 @!p0 s28, s27  }
0x3d: {  	s26 =	sand.u32 @!p0 $0x4000, s26;
	s25 =	sadd.s32 @!p0 s29, s25;
	s27 =	sand.u32 @!p0 $0x7, s24  }
0x3e: {  	s24 =	sshrl.u32 @!p0 s24, $0x3;
	s23 =	sadd.s32 @!p0 s23, s25;
	s25 =	sshll.u32 @!p0 s27, $0x12  }
0x3f: {  	s23 =	sadd.s32 @!p0 s24, s23;
	s24 =	sor.u32 @!p0 $0x400, s25;
	s25 =	simm.s32 @!p0 $0x1800  }
0x40: {  	[tilespmem:s26], [sflag:$0x1] =	stream.strided.gather @!p0 [hbm4b:s23+s24], $0x4000, s25, s24, $0x38;
	[tilespmem:$0x10000] =	vst v63  }
0x41: {  	p0 =	sge.u32 s31, s7  }
.Ltmp2:
0x42: {  	_ = 	snop;
	(pc) =	sbr.rel @p0 .LBB1_5-.Ltmp2, $1  }
0x43: {  	_ =	sdelay $0x3  }
0x44: {  	s23 =	sand.u32 $0x4000, s11  }
0x45: {  	s24 =	sor.u32 $0x40, s23  }
0x46: {  	v1 =	vmov s24;
	_ =	sdelay $0x1  }
0x47: {  	_ =	swait.ge [sflag:s6], $0x4000  }
0x48: {  	[sflag:s6] =	ssyncset.done $0x0  }
0x49: {  	s25 =	simm.s32 $0x0;
	[sflag:s6] =	ssyncadd.s32 $0xFFFFC000  }
0x4a: {  	s23 =	sor.u32 $0x8070, s23;
	v7 =	vld.idx.msk [tilespmem:v1+s25+$0x30 ss:$0x1], $0xffff  }
0x4b: {  	v0 =	vmov s23;
	v8 =	vld.idx.msk [tilespmem:v1+s25+$0xFFFFFFC0 ss:$0x1], $0xffff  }
0x4c: {  	v6 =	vld.idx.msk [tilespmem:v1+s25+$0xFFFFFFD0 ss:$0x1], $0xffff  }
0x4d: {  	v5 =	vld.idx.msk [tilespmem:v1+s25+$0xFFFFFFE0 ss:$0x1], $0xffff  }
0x4e: {  	v3 =	vld.idx.msk [tilespmem:v1+s25+$0xFFFFFFF0 ss:$0x1], $0xffff  }
0x4f: {  	s31 =	sshll.u32 s17, $0xE;
	v2 =	vld.idx.msk [tilespmem:v1+s25+$0x0 ss:$0x1], $0xffff  }
0x50: {  	s23 =	sand.u32 $0x4000, s31;
	v4 =	vld.idx.msk [tilespmem:v1+s25+$0x10 ss:$0x1], $0xffff;
	[tilespmem:v0+s25+$0x0 ss:$0x1] =	vst.idx.msk $0xffff, v7  }
0x51: {  	s26 =	simm.s32 $0x400;
	s24 =	simm.s32 $0x80;
	s23 =	sor.u32 $0x8000, s23;
	[tilespmem:v0+s25+$0xFFFFFF90 ss:$0x1] =	vst.idx.msk $0xffff, v8;
	v7 =	vld.idx.msk [tilespmem:v1+s25+$0x20 ss:$0x1], $0xffff  }
.LBB1_3:
0x52: {  	p0 =	sne.s32 s26, $0xFE00;
	v8 =	vld.idx.msk [tilespmem:v1+s24+$0x30 ss:$0x1], $0xffff;
	[tilespmem:v0+s25+$0xFFFFFFA0 ss:$0x1] =	vst.idx.msk $0xffff, v6  }
0x53: {  	v9 =	vld.idx.msk [tilespmem:v1+s24+$0xFFFFFFC0 ss:$0x1], $0xffff;
	[tilespmem:v0+s25+$0xFFFFFFB0 ss:$0x1] =	vst.idx.msk $0xffff, v5  }
0x54: {  	v6 =	vld.idx.msk [tilespmem:v1+s24+$0xFFFFFFD0 ss:$0x1], $0xffff;
	[tilespmem:v0+s25+$0xFFFFFFC0 ss:$0x1] =	vst.idx.msk $0xffff, v3  }
.Ltmp3:
0x55: {  	v5 =	vld.idx.msk [tilespmem:v1+s24+$0xFFFFFFE0 ss:$0x1], $0xffff;
	[tilespmem:v0+s25+$0xFFFFFFD0 ss:$0x1] =	vst.idx.msk $0xffff, v2;
	(pc) =	sbr.rel @p0 .LBB1_3-.Ltmp3, $4  }
0x56: {  	v3 =	vld.idx.msk [tilespmem:v1+s24+$0xFFFFFFF0 ss:$0x1], $0xffff;
	[tilespmem:v0+s25+$0xFFFFFFE0 ss:$0x1] =	vst.idx.msk $0xffff, v4  }
0x57: {  	v2 =	vld.idx.msk [tilespmem:v1+s24+$0x0 ss:$0x1], $0xffff;
	[tilespmem:v0+s25+$0xFFFFFFF0 ss:$0x1] =	vst.idx.msk $0xffff, v7;
	s25 =	smov.u32 s24  }
0x58: {  	v4 =	vld.idx.msk [tilespmem:v1+s25+$0x10 ss:$0x1], $0xffff;
	[tilespmem:v0+s25+$0x0 ss:$0x1] =	vst.idx.msk $0xffff, v8  }
0x59: {  	s24 =	sshra.s32 s26, $0x2;
	s26 =	sadd.s32 $0x200, s26;
	[tilespmem:v0+s25+$0xFFFFFF90 ss:$0x1] =	vst.idx.msk $0xffff, v9;
	v7 =	vld.idx.msk [tilespmem:v1+s25+$0x20 ss:$0x1], $0xffff  }
.Ltmp4:
0x5a: {  	_ = 	snop;
	(pc) =	sbr.rel .LBB1_4-.Ltmp4, $1  }
0x5b: {  	_ =	sdelay $0x3  }
.LBB1_6:
0x5c: {  	_ =	sfence.sel $0x180000  }
0x5d: {  	s1 =	simm.s32 $0x1;
	[bflag:$0x0] =	sbarrier.arrive $0xFFFF  }
0x5e: {  	s31 =	simm.s32 $0x2;
	[sflag:s1] =	ssyncpa.u1 $0x1  }
0x5f: {  	[sflag:s31] =	ssyncpa.u1 $0x1  }
0x60: {  	p0 =	sne.s32 s0, $0x0;
	_ =	strace $0x9000004D  }
0x61: {  	s0 =	sadd.s32 @!p0 $0x100000, s2;
	[bflag:$0x2] =	sbarrier.arrive $0xFFFF  }
0x62: {  	[sflag:s0] =	ssyncadd.tile.s32 @!p0 $0x1;
	_ =	shalt  }
.Lfunc_end1:
_tile_overlayer_lowered:
.L_overlay_start_2:
0x63: {  	(tag) =	ssettag $0x2  }
0x64: {  	s0 =	rddreg [dreg:$0x0];
	s2 =	stileid.u32  }
0x65: {  	s1 =	rddreg [dreg:$0x1];
	p0 =	sne.s32 s2, $0x0  }
0x66: {  	s3 =	rddreg [dreg:$0x2];
	[bflag:$0x3] =	sbarrier.arrive $0xFFFF;
	s2 =	simm.s32 @!p0 $0x1C01  }
0x67: {  	[timem:s3], [sflag:s2] =	dma.local @!p0 [hbm:s0], s1  }
0x68: {  	s0 =	simm.s32 @!p0 $0x1  }
0x69: {  	_ =	swait.ge @!p0 [sflag:s0], s1  }
0x6a: {  	s1 =	ssub.s32 @!p0 $0x0, s1;
	[sflag:s0] =	ssyncset.done @!p0 $0x0  }
0x6b: {  	[sflag:s0] =	ssyncadd.s32 @!p0 s1  }
0x6c: {  	[bflag:$0x3] =	sbarrier.arrive $0xFFFF  }
0x6d: {  	_ =	shalt  }

</sc_bundles>
